<compile_context>
chip_gen: v7x
topology: tpu7x:2x2x1
jax: 0.10.2.dev20260603
libtpu: 0.0.44.dev20260713+nightly
codegen_flags: <defaults>
</compile_context>

<pallas_src>
import functools

import jax
import jax.numpy as jnp
from jax import lax
from jax.experimental import pallas as pl
from jax.experimental.pallas import tpu as pltpu
from jax.experimental.pallas import tpu_sc as plsc

DIMS = (64, 64, 64)
FEAT = 64
BATCH = 16384
NROWS = DIMS[0] * DIMS[1] * DIMS[2]

NUM_CORES = 2
NUM_SUBCORES = 16
LANES = 16
NUM_WORKERS = NUM_CORES * NUM_SUBCORES
BPW = BATCH // NUM_WORKERS
KBATCH = 16
NBATCH = BPW // KBATCH

_mesh = plsc.VectorSubcoreMesh(core_axis_name="c", subcore_axis_name="s")


@functools.partial(
    pl.kernel,
    mesh=_mesh,
    out_type=jax.ShapeDtypeStruct((BATCH, FEAT), jnp.float32),
    scratch_types=[
        pltpu.VMEM((3 * BPW,), jnp.int32),
        pltpu.VMEM((BPW, FEAT), jnp.float32),
        pltpu.SemaphoreType.DMA,
    ],
)
def _lookup(idx_hbm, tab_hbm, out_hbm, raw_v, rows_v, sem):
    wid = lax.axis_index("s") * NUM_CORES + lax.axis_index("c")
    base = pl.multiple_of(wid * BPW, BPW)

    stage = [
        pltpu.async_copy(idx_hbm.at[pl.ds(c * BATCH + base, BPW)],
                         raw_v.at[pl.ds(c * BPW, BPW)], sem)
        for c in range(3)
    ]
    for cp in stage:
        cp.wait()

    @pl.loop(0, NBATCH)
    def _batch(g):
        r0 = g * KBATCH
        for h in range(KBATCH // LANES):
            o16 = r0 + h * LANES
            i0 = raw_v[pl.ds(o16, LANES)]
            i1 = raw_v[pl.ds(BPW + o16, LANES)]
            i2 = raw_v[pl.ds(2 * BPW + o16, LANES)]
            fv = i0 * (DIMS[1] * DIMS[2]) + i1 * DIMS[2] + i2
            for l in range(LANES):
                pltpu.async_copy(
                    tab_hbm.at[fv[l]],
                    rows_v.at[r0 + h * LANES + l],
                    sem,
                )
    pltpu.make_async_copy(
        tab_hbm.at[pl.ds(0, BPW)],
        rows_v,
        sem,
    ).wait()

    pltpu.sync_copy(rows_v, out_hbm.at[pl.ds(base, BPW)])


def kernel(indices, table):
    idx_cols = indices.astype(jnp.int32).T.reshape(-1)
    tab2d = table.reshape(NROWS, FEAT)
    return _lookup(idx_cols, tab2d)

# --- scband reference (transcript-rebuilt; emitter-appended) ---
"""Pipeline reference for scband-learnable-lookup-table-57939108823483 (READ-ONLY COPY).

The authoritative reference and input builder live on the scoring server;
editing this copy changes nothing except your own understanding.
"""

import jax, jax.numpy as jnp
import numpy as np

DIMS = (64, 64, 64)
FEATURE_SIZE = 64
BATCH = 16384

def setup_inputs(seed: int = 0) -> dict:
    key = jax.random.key(seed)
    k_idx, k_tab = jax.random.split(key)
    indices = jax.random.randint(k_idx, (BATCH, 3), 0, 64, dtype=jnp.int64)
    table = jax.random.normal(k_tab, (*DIMS, FEATURE_SIZE), dtype=jnp.float32)
    return {"indices": indices, "table": table}

def reference(indices, table):
    # Faithful translation of LearnableLookupTable.forward for len(dims) == 3:
    # table[indices[:, 0], indices[:, 1], indices[:, 2]] -> [B, feature_size]
    return table[indices[:, 0], indices[:, 1], indices[:, 2]]

if __name__ == "__main__":
    import jax
    _d = setup_inputs()
    print(jax.jit(kernel)(*tuple(_d.values())))

</pallas_src>

<mosaic_0001>
#map = affine_map<(d0, d1) -> (0)>
#map1 = affine_map<(d0, d1) -> (0, 0)>
module attributes {stable_mosaic.version = 14 : i64} {
  func.func @_lookup(%arg0: i32, %arg1: i32, %arg2: memref<49152xi32, #tpu.memory_space<hbm>>, %arg3: memref<262144x64xf32, #tpu.memory_space<hbm>>, %arg4: memref<16384x64xf32, #tpu.memory_space<hbm>>, %arg5: memref<1536xi32, #tpu.memory_space<vmem>>, %arg6: memref<512x64xf32, #tpu.memory_space<vmem>>, %arg7: memref<!tpu.dma_semaphore, #tpu.memory_space<semaphore_mem>>) attributes {dimension_semantics = [#tpu.dimension_semantics<core_parallel>, #tpu.dimension_semantics<subcore_parallel>], iteration_bounds = array<i64: 2, 16>, scalar_prefetch = 0 : i64, scratch_operands = 3 : i64, tpu.core_type = #tpu.core_type<sc_vector_subcore>, window_params = [{transform_indices = #map}, {transform_indices = #map1}, {transform_indices = #map1}]} {
    %mul3A = arith.constant 2 : i32
    %mul3A_0 = arith.muli %arg1, %mul3A : i32
    %add3A = arith.addi %mul3A_0, %arg0 : i32
    %mul3A_1 = arith.constant 512 : i32
    %mul3A_2 = arith.muli %add3A, %mul3A_1 : i32
    %multiple_of3A = tpu.assume_multiple %mul3A_2, 512 : i32
    %add3A_3 = arith.constant 0 : i32
    %add3A_4 = arith.addi %add3A_3, %multiple_of3A : i32
    %dma_start3A = arith.constant 0 : i32
    %dma_start3A_5 = tpu.memref_slice %arg5[%dma_start3A] : memref<1536xi32, #tpu.memory_space<vmem>> -> memref<512xi32, #tpu.memory_space<vmem>>
    %dma_start3A_6 = tpu.memref_slice %arg2[%add3A_4] : memref<49152xi32, #tpu.memory_space<hbm>> -> memref<512xi32, #tpu.memory_space<hbm>>
    %dma_start3A_7 = arith.constant 0 : i32
    %dma_start3A_8 = tpu.memref_slice %arg5[%dma_start3A_7] : memref<1536xi32, #tpu.memory_space<vmem>> -> memref<512xi32, #tpu.memory_space<vmem>>
    %dma_start3A_9 = tpu.memref_slice %arg2[%add3A_4] : memref<49152xi32, #tpu.memory_space<hbm>> -> memref<512xi32, #tpu.memory_space<hbm>>
    tpu.enqueue_dma source(%dma_start3A_9 : memref<512xi32, #tpu.memory_space<hbm>>) target(%dma_start3A_8 : memref<512xi32, #tpu.memory_space<vmem>>) target_semaphore(%arg7 : memref<!tpu.dma_semaphore, #tpu.memory_space<semaphore_mem>>)
    %add3A_10 = arith.constant 16384 : i32
    %add3A_11 = arith.addi %add3A_10, %multiple_of3A : i32
    %dma_start3A_12 = arith.constant 512 : i32
    %dma_start3A_13 = tpu.memref_slice %arg5[%dma_start3A_12] : memref<1536xi32, #tpu.memory_space<vmem>> -> memref<512xi32, #tpu.memory_space<vmem>>
    %dma_start3A_14 = tpu.memref_slice %arg2[%add3A_11] : memref<49152xi32, #tpu.memory_space<hbm>> -> memref<512xi32, #tpu.memory_space<hbm>>
    %dma_start3A_15 = arith.constant 512 : i32
    %dma_start3A_16 = tpu.memref_slice %arg5[%dma_start3A_15] : memref<1536xi32, #tpu.memory_space<vmem>> -> memref<512xi32, #tpu.memory_space<vmem>>
    %dma_start3A_17 = tpu.memref_slice %arg2[%add3A_11] : memref<49152xi32, #tpu.memory_space<hbm>> -> memref<512xi32, #tpu.memory_space<hbm>>
    tpu.enqueue_dma source(%dma_start3A_17 : memref<512xi32, #tpu.memory_space<hbm>>) target(%dma_start3A_16 : memref<512xi32, #tpu.memory_space<vmem>>) target_semaphore(%arg7 : memref<!tpu.dma_semaphore, #tpu.memory_space<semaphore_mem>>)
    %add3A_18 = arith.constant 32768 : i32
    %add3A_19 = arith.addi %add3A_18, %multiple_of3A : i32
    %dma_start3A_20 = arith.constant 1024 : i32
    %dma_start3A_21 = tpu.memref_slice %arg5[%dma_start3A_20] : memref<1536xi32, #tpu.memory_space<vmem>> -> memref<512xi32, #tpu.memory_space<vmem>>
    %dma_start3A_22 = tpu.memref_slice %arg2[%add3A_19] : memref<49152xi32, #tpu.memory_space<hbm>> -> memref<512xi32, #tpu.memory_space<hbm>>
    %dma_start3A_23 = arith.constant 1024 : i32
    %dma_start3A_24 = tpu.memref_slice %arg5[%dma_start3A_23] : memref<1536xi32, #tpu.memory_space<vmem>> -> memref<512xi32, #tpu.memory_space<vmem>>
    %dma_start3A_25 = tpu.memref_slice %arg2[%add3A_19] : memref<49152xi32, #tpu.memory_space<hbm>> -> memref<512xi32, #tpu.memory_space<hbm>>
    tpu.enqueue_dma source(%dma_start3A_25 : memref<512xi32, #tpu.memory_space<hbm>>) target(%dma_start3A_24 : memref<512xi32, #tpu.memory_space<vmem>>) target_semaphore(%arg7 : memref<!tpu.dma_semaphore, #tpu.memory_space<semaphore_mem>>)
    %dma_wait3A = arith.constant 0 : i32
    %dma_wait3A_26 = tpu.memref_slice %arg5[%dma_wait3A] : memref<1536xi32, #tpu.memory_space<vmem>> -> memref<512xi32, #tpu.memory_space<vmem>>
    %dma_wait3A_27 = tpu.memref_slice %arg2[%add3A_4] : memref<49152xi32, #tpu.memory_space<hbm>> -> memref<512xi32, #tpu.memory_space<hbm>>
    %dma_wait3A_28 = arith.constant 0 : i32
    %dma_wait3A_29 = tpu.memref_slice %arg5[%dma_wait3A_28] : memref<1536xi32, #tpu.memory_space<vmem>> -> memref<512xi32, #tpu.memory_space<vmem>>
    %dma_wait3A_30 = tpu.memref_slice %arg2[%add3A_4] : memref<49152xi32, #tpu.memory_space<hbm>> -> memref<512xi32, #tpu.memory_space<hbm>>
    tpu.wait_dma2 semaphore(%arg7 : memref<!tpu.dma_semaphore, #tpu.memory_space<semaphore_mem>>) src(%dma_wait3A_30 : memref<512xi32, #tpu.memory_space<hbm>>) dst(%dma_wait3A_29 : memref<512xi32, #tpu.memory_space<vmem>>)
    %dma_wait3A_31 = arith.constant 512 : i32
    %dma_wait3A_32 = tpu.memref_slice %arg5[%dma_wait3A_31] : memref<1536xi32, #tpu.memory_space<vmem>> -> memref<512xi32, #tpu.memory_space<vmem>>
    %dma_wait3A_33 = tpu.memref_slice %arg2[%add3A_11] : memref<49152xi32, #tpu.memory_space<hbm>> -> memref<512xi32, #tpu.memory_space<hbm>>
    %dma_wait3A_34 = arith.constant 512 : i32
    %dma_wait3A_35 = tpu.memref_slice %arg5[%dma_wait3A_34] : memref<1536xi32, #tpu.memory_space<vmem>> -> memref<512xi32, #tpu.memory_space<vmem>>
    %dma_wait3A_36 = tpu.memref_slice %arg2[%add3A_11] : memref<49152xi32, #tpu.memory_space<hbm>> -> memref<512xi32, #tpu.memory_space<hbm>>
    tpu.wait_dma2 semaphore(%arg7 : memref<!tpu.dma_semaphore, #tpu.memory_space<semaphore_mem>>) src(%dma_wait3A_36 : memref<512xi32, #tpu.memory_space<hbm>>) dst(%dma_wait3A_35 : memref<512xi32, #tpu.memory_space<vmem>>)
    %dma_wait3A_37 = arith.constant 1024 : i32
    %dma_wait3A_38 = tpu.memref_slice %arg5[%dma_wait3A_37] : memref<1536xi32, #tpu.memory_space<vmem>> -> memref<512xi32, #tpu.memory_space<vmem>>
    %dma_wait3A_39 = tpu.memref_slice %arg2[%add3A_19] : memref<49152xi32, #tpu.memory_space<hbm>> -> memref<512xi32, #tpu.memory_space<hbm>>
    %dma_wait3A_40 = arith.constant 1024 : i32
    %dma_wait3A_41 = tpu.memref_slice %arg5[%dma_wait3A_40] : memref<1536xi32, #tpu.memory_space<vmem>> -> memref<512xi32, #tpu.memory_space<vmem>>
    %dma_wait3A_42 = tpu.memref_slice %arg2[%add3A_19] : memref<49152xi32, #tpu.memory_space<hbm>> -> memref<512xi32, #tpu.memory_space<hbm>>
    tpu.wait_dma2 semaphore(%arg7 : memref<!tpu.dma_semaphore, #tpu.memory_space<semaphore_mem>>) src(%dma_wait3A_42 : memref<512xi32, #tpu.memory_space<hbm>>) dst(%dma_wait3A_41 : memref<512xi32, #tpu.memory_space<vmem>>)
    %scan3A = arith.constant 0 : i32
    %scan3A_43 = arith.constant 32 : i32
    %scan3A_44 = arith.addi %scan3A, %scan3A_43 : i32
    %scan3A_45 = arith.constant 1 : i32
    scf.for %scan3A_53 = %scan3A to %scan3A_44 step %scan3A_45  : i32 {
      %mul3A_54 = arith.constant 1 : i32
      %mul3A_55 = arith.muli %scan3A_53, %mul3A_54 : i32
      %add3A_56 = arith.constant 0 : i32
      %add3A_57 = arith.addi %add3A_56, %mul3A_55 : i32
      %mul3A_58 = arith.constant 16 : i32
      %mul3A_59 = arith.muli %add3A_57, %mul3A_58 : i32
      %add3A_60 = arith.constant 0 : i32
      %add3A_61 = arith.addi %mul3A_59, %add3A_60 : i32
      %get3A = arith.index_cast %add3A_61 : i32 to index
      %get3A_62 = tpu.vector_load %arg5[%get3A] {strides = array<i32>} : memref<1536xi32, #tpu.memory_space<vmem>>, vector<16xi32>,
      %get3A_63 = vector.shape_cast %get3A_62 : vector<16xi32> to vector<16xi32>
      %add3A_64 = arith.constant 512 : i32
      %add3A_65 = arith.addi %add3A_64, %add3A_61 : i32
      %get3A_66 = arith.index_cast %add3A_65 : i32 to index
      %get3A_67 = tpu.vector_load %arg5[%get3A_66] {strides = array<i32>} : memref<1536xi32, #tpu.memory_space<vmem>>, vector<16xi32>,
      %get3A_68 = vector.shape_cast %get3A_67 : vector<16xi32> to vector<16xi32>
      %add3A_69 = arith.constant 1024 : i32
      %add3A_70 = arith.addi %add3A_69, %add3A_61 : i32
      %get3A_71 = arith.index_cast %add3A_70 : i32 to index
      %get3A_72 = tpu.vector_load %arg5[%get3A_71] {strides = array<i32>} : memref<1536xi32, #tpu.memory_space<vmem>>, vector<16xi32>,
      %get3A_73 = vector.shape_cast %get3A_72 : vector<16xi32> to vector<16xi32>
      %mul3A_74 = arith.constant 4096 : i32
      %mul3A_75 = vector.broadcast %mul3A_74 : i32 to vector<16xi32>
      %mul3A_76 = arith.muli %get3A_63, %mul3A_75 : vector<16xi32>
      %mul3A_77 = arith.constant 64 : i32
      %mul3A_78 = vector.broadcast %mul3A_77 : i32 to vector<16xi32>
      %mul3A_79 = arith.muli %get3A_68, %mul3A_78 : vector<16xi32>
      %add3A_80 = arith.addi %mul3A_76, %mul3A_79 : vector<16xi32>
      %add3A_81 = arith.addi %add3A_80, %get3A_73 : vector<16xi32>
      %slice3A = vector.extract_strided_slice %add3A_81 {offsets = [0], sizes = [1], strides = [1]} : vector<16xi32> to vector<1xi32>
      %squeeze3A = vector.extract %slice3A[0] : i32 from vector<1xi32>
      %add3A_82 = arith.constant 0 : i32
      %add3A_83 = arith.addi %mul3A_59, %add3A_82 : i32
      %add3A_84 = arith.constant 0 : i32
      %add3A_85 = arith.addi %add3A_83, %add3A_84 : i32
      %dma_start3A_86 = arith.constant 0 : i32
      %dma_start3A_87 = tpu.memref_slice %arg6[%add3A_85, %dma_start3A_86] : memref<512x64xf32, #tpu.memory_space<vmem>> -> memref<1x64xf32, #tpu.memory_space<vmem>>
      %dma_start3A_88 = tpu.memref_squeeze %dma_start3A_87 : memref<1x64xf32, #tpu.memory_space<vmem>> -> memref<64xf32, #tpu.memory_space<vmem>>
      %dma_start3A_89 = arith.constant 0 : i32
      %dma_start3A_90 = tpu.memref_slice %arg3[%squeeze3A, %dma_start3A_89] : memref<262144x64xf32, #tpu.memory_space<hbm>> -> memref<1x64xf32, #tpu.memory_space<hbm>>
      %dma_start3A_91 = tpu.memref_squeeze %dma_start3A_90 : memref<1x64xf32, #tpu.memory_space<hbm>> -> memref<64xf32, #tpu.memory_space<hbm>>
      %dma_start3A_92 = arith.constant 0 : i32
      %dma_start3A_93 = tpu.memref_slice %arg6[%add3A_85, %dma_start3A_92] : memref<512x64xf32, #tpu.memory_space<vmem>> -> memref<1x64xf32, #tpu.memory_space<vmem>>
      %dma_start3A_94 = tpu.memref_squeeze %dma_start3A_93 : memref<1x64xf32, #tpu.memory_space<vmem>> -> memref<64xf32, #tpu.memory_space<vmem>>
      %dma_start3A_95 = arith.constant 0 : i32
      %dma_start3A_96 = tpu.memref_slice %arg3[%squeeze3A, %dma_start3A_95] : memref<262144x64xf32, #tpu.memory_space<hbm>> -> memref<1x64xf32, #tpu.memory_space<hbm>>
      %dma_start3A_97 = tpu.memref_squeeze %dma_start3A_96 : memref<1x64xf32, #tpu.memory_space<hbm>> -> memref<64xf32, #tpu.memory_space<hbm>>
      tpu.enqueue_dma source(%dma_start3A_97 : memref<64xf32, #tpu.memory_space<hbm>>) target(%dma_start3A_94 : memref<64xf32, #tpu.memory_space<vmem>>) target_semaphore(%arg7 : memref<!tpu.dma_semaphore, #tpu.memory_space<semaphore_mem>>)
      %slice3A_98 = vector.extract_strided_slice %add3A_81 {offsets = [1], sizes = [1], strides = [1]} : vector<16xi32> to vector<1xi32>
      %squeeze3A_99 = vector.extract %slice3A_98[0] : i32 from vector<1xi32>
      %add3A_100 = arith.constant 0 : i32
      %add3A_101 = arith.addi %mul3A_59, %add3A_100 : i32
      %add3A_102 = arith.constant 1 : i32
      %add3A_103 = arith.addi %add3A_101, %add3A_102 : i32
      %dma_start3A_104 = arith.constant 0 : i32
      %dma_start3A_105 = tpu.memref_slice %arg6[%add3A_103, %dma_start3A_104] : memref<512x64xf32, #tpu.memory_space<vmem>> -> memref<1x64xf32, #tpu.memory_space<vmem>>
      %dma_start3A_106 = tpu.memref_squeeze %dma_start3A_105 : memref<1x64xf32, #tpu.memory_space<vmem>> -> memref<64xf32, #tpu.memory_space<vmem>>
      %dma_start3A_107 = arith.constant 0 : i32
      %dma_start3A_108 = tpu.memref_slice %arg3[%squeeze3A_99, %dma_start3A_107] : memref<262144x64xf32, #tpu.memory_space<hbm>> -> memref<1x64xf32, #tpu.memory_space<hbm>>
      %dma_start3A_109 = tpu.memref_squeeze %dma_start3A_108 : memref<1x64xf32, #tpu.memory_space<hbm>> -> memref<64xf32, #tpu.memory_space<hbm>>
      %dma_start3A_110 = arith.constant 0 : i32
      %dma_start3A_111 = tpu.memref_slice %arg6[%add3A_103, %dma_start3A_110] : memref<512x64xf32, #tpu.memory_space<vmem>> -> memref<1x64xf32, #tpu.memory_space<vmem>>
      %dma_start3A_112 = tpu.memref_squeeze %dma_start3A_111 : memref<1x64xf32, #tpu.memory_space<vmem>> -> memref<64xf32, #tpu.memory_space<vmem>>
      %dma_start3A_113 = arith.constant 0 : i32
      %dma_start3A_114 = tpu.memref_slice %arg3[%squeeze3A_99, %dma_start3A_113] : memref<262144x64xf32, #tpu.memory_space<hbm>> -> memref<1x64xf32, #tpu.memory_space<hbm>>
      %dma_start3A_115 = tpu.memref_squeeze %dma_start3A_114 : memref<1x64xf32, #tpu.memory_space<hbm>> -> memref<64xf32, #tpu.memory_space<hbm>>
      tpu.enqueue_dma source(%dma_start3A_115 : memref<64xf32, #tpu.memory_space<hbm>>) target(%dma_start3A_112 : memref<64xf32, #tpu.memory_space<vmem>>) target_semaphore(%arg7 : memref<!tpu.dma_semaphore, #tpu.memory_space<semaphore_mem>>)
      %slice3A_116 = vector.extract_strided_slice %add3A_81 {offsets = [2], sizes = [1], strides = [1]} : vector<16xi32> to vector<1xi32>
      %squeeze3A_117 = vector.extract %slice3A_116[0] : i32 from vector<1xi32>
      %add3A_118 = arith.constant 0 : i32
      %add3A_119 = arith.addi %mul3A_59, %add3A_118 : i32
      %add3A_120 = arith.constant 2 : i32
      %add3A_121 = arith.addi %add3A_119, %add3A_120 : i32
      %dma_start3A_122 = arith.constant 0 : i32
      %dma_start3A_123 = tpu.memref_slice %arg6[%add3A_121, %dma_start3A_122] : memref<512x64xf32, #tpu.memory_space<vmem>> -> memref<1x64xf32, #tpu.memory_space<vmem>>
      %dma_start3A_124 = tpu.memref_squeeze %dma_start3A_123 : memref<1x64xf32, #tpu.memory_space<vmem>> -> memref<64xf32, #tpu.memory_space<vmem>>
      %dma_start3A_125 = arith.constant 0 : i32
      %dma_start3A_126 = tpu.memref_slice %arg3[%squeeze3A_117, %dma_start3A_125] : memref<262144x64xf32, #tpu.memory_space<hbm>> -> memref<1x64xf32, #tpu.memory_space<hbm>>
      %dma_start3A_127 = tpu.memref_squeeze %dma_start3A_126 : memref<1x64xf32, #tpu.memory_space<hbm>> -> memref<64xf32, #tpu.memory_space<hbm>>
      %dma_start3A_128 = arith.constant 0 : i32
      %dma_start3A_129 = tpu.memref_slice %arg6[%add3A_121, %dma_start3A_128] : memref<512x64xf32, #tpu.memory_space<vmem>> -> memref<1x64xf32, #tpu.memory_space<vmem>>
      %dma_start3A_130 = tpu.memref_squeeze %dma_start3A_129 : memref<1x64xf32, #tpu.memory_space<vmem>> -> memref<64xf32, #tpu.memory_space<vmem>>
      %dma_start3A_131 = arith.constant 0 : i32
      %dma_start3A_132 = tpu.memref_slice %arg3[%squeeze3A_117, %dma_start3A_131] : memref<262144x64xf32, #tpu.memory_space<hbm>> -> memref<1x64xf32, #tpu.memory_space<hbm>>
      %dma_start3A_133 = tpu.memref_squeeze %dma_start3A_132 : memref<1x64xf32, #tpu.memory_space<hbm>> -> memref<64xf32, #tpu.memory_space<hbm>>
      tpu.enqueue_dma source(%dma_start3A_133 : memref<64xf32, #tpu.memory_space<hbm>>) target(%dma_start3A_130 : memref<64xf32, #tpu.memory_space<vmem>>) target_semaphore(%arg7 : memref<!tpu.dma_semaphore, #tpu.memory_space<semaphore_mem>>)
      %slice3A_134 = vector.extract_strided_slice %add3A_81 {offsets = [3], sizes = [1], strides = [1]} : vector<16xi32> to vector<1xi32>
      %squeeze3A_135 = vector.extract %slice3A_134[0] : i32 from vector<1xi32>
      %add3A_136 = arith.constant 0 : i32
      %add3A_137 = arith.addi %mul3A_59, %add3A_136 : i32
      %add3A_138 = arith.constant 3 : i32
      %add3A_139 = arith.addi %add3A_137, %add3A_138 : i32
      %dma_start3A_140 = arith.constant 0 : i32
      %dma_start3A_141 = tpu.memref_slice %arg6[%add3A_139, %dma_start3A_140] : memref<512x64xf32, #tpu.memory_space<vmem>> -> memref<1x64xf32, #tpu.memory_space<vmem>>
      %dma_start3A_142 = tpu.memref_squeeze %dma_start3A_141 : memref<1x64xf32, #tpu.memory_space<vmem>> -> memref<64xf32, #tpu.memory_space<vmem>>
      %dma_start3A_143 = arith.constant 0 : i32
      %dma_start3A_144 = tpu.memref_slice %arg3[%squeeze3A_135, %dma_start3A_143] : memref<262144x64xf32, #tpu.memory_space<hbm>> -> memref<1x64xf32, #tpu.memory_space<hbm>>
      %dma_start3A_145 = tpu.memref_squeeze %dma_start3A_144 : memref<1x64xf32, #tpu.memory_space<hbm>> -> memref<64xf32, #tpu.memory_space<hbm>>
      %dma_start3A_146 = arith.constant 0 : i32
      %dma_start3A_147 = tpu.memref_slice %arg6[%add3A_139, %dma_start3A_146] : memref<512x64xf32, #tpu.memory_space<vmem>> -> memref<1x64xf32, #tpu.memory_space<vmem>>
      %dma_start3A_148 = tpu.memref_squeeze %dma_start3A_147 : memref<1x64xf32, #tpu.memory_space<vmem>> -> memref<64xf32, #tpu.memory_space<vmem>>
      %dma_start3A_149 = arith.constant 0 : i32
      %dma_start3A_150 = tpu.memref_slice %arg3[%squeeze3A_135, %dma_start3A_149] : memref<262144x64xf32, #tpu.memory_space<hbm>> -> memref<1x64xf32, #tpu.memory_space<hbm>>
      %dma_start3A_151 = tpu.memref_squeeze %dma_start3A_150 : memref<1x64xf32, #tpu.memory_space<hbm>> -> memref<64xf32, #tpu.memory_space<hbm>>
      tpu.enqueue_dma source(%dma_start3A_151 : memref<64xf32, #tpu.memory_space<hbm>>) target(%dma_start3A_148 : memref<64xf32, #tpu.memory_space<vmem>>) target_semaphore(%arg7 : memref<!tpu.dma_semaphore, #tpu.memory_space<semaphore_mem>>)
      %slice3A_152 = vector.extract_strided_slice %add3A_81 {offsets = [4], sizes = [1], strides = [1]} : vector<16xi32> to vector<1xi32>
      %squeeze3A_153 = vector.extract %slice3A_152[0] : i32 from vector<1xi32>
      %add3A_154 = arith.constant 0 : i32
      %add3A_155 = arith.addi %mul3A_59, %add3A_154 : i32
      %add3A_156 = arith.constant 4 : i32
      %add3A_157 = arith.addi %add3A_155, %add3A_156 : i32
      %dma_start3A_158 = arith.constant 0 : i32
      %dma_start3A_159 = tpu.memref_slice %arg6[%add3A_157, %dma_start3A_158] : memref<512x64xf32, #tpu.memory_space<vmem>> -> memref<1x64xf32, #tpu.memory_space<vmem>>
      %dma_start3A_160 = tpu.memref_squeeze %dma_start3A_159 : memref<1x64xf32, #tpu.memory_space<vmem>> -> memref<64xf32, #tpu.memory_space<vmem>>
      %dma_start3A_161 = arith.constant 0 : i32
      %dma_start3A_162 = tpu.memref_slice %arg3[%squeeze3A_153, %dma_start3A_161] : memref<262144x64xf32, #tpu.memory_space<hbm>> -> memref<1x64xf32, #tpu.memory_space<hbm>>
      %dma_start3A_163 = tpu.memref_squeeze %dma_start3A_162 : memref<1x64xf32, #tpu.memory_space<hbm>> -> memref<64xf32, #tpu.memory_space<hbm>>
      %dma_start3A_164 = arith.constant 0 : i32
      %dma_start3A_165 = tpu.memref_slice %arg6[%add3A_157, %dma_start3A_164] : memref<512x64xf32, #tpu.memory_space<vmem>> -> memref<1x64xf32, #tpu.memory_space<vmem>>
      %dma_start3A_166 = tpu.memref_squeeze %dma_start3A_165 : memref<1x64xf32, #tpu.memory_space<vmem>> -> memref<64xf32, #tpu.memory_space<vmem>>
      %dma_start3A_167 = arith.constant 0 : i32
      %dma_start3A_168 = tpu.memref_slice %arg3[%squeeze3A_153, %dma_start3A_167] : memref<262144x64xf32, #tpu.memory_space<hbm>> -> memref<1x64xf32, #tpu.memory_space<hbm>>
      %dma_start3A_169 = tpu.memref_squeeze %dma_start3A_168 : memref<1x64xf32, #tpu.memory_space<hbm>> -> memref<64xf32, #tpu.memory_space<hbm>>
      tpu.enqueue_dma source(%dma_start3A_169 : memref<64xf32, #tpu.memory_space<hbm>>) target(%dma_start3A_166 : memref<64xf32, #tpu.memory_space<vmem>>) target_semaphore(%arg7 : memref<!tpu.dma_semaphore, #tpu.memory_space<semaphore_mem>>)
      %slice3A_170 = vector.extract_strided_slice %add3A_81 {offsets = [5], sizes = [1], strides = [1]} : vector<16xi32> to vector<1xi32>
      %squeeze3A_171 = vector.extract %slice3A_170[0] : i32 from vector<1xi32>
      %add3A_172 = arith.constant 0 : i32
      %add3A_173 = arith.addi %mul3A_59, %add3A_172 : i32
      %add3A_174 = arith.constant 5 : i32
      %add3A_175 = arith.addi %add3A_173, %add3A_174 : i32
      %dma_start3A_176 = arith.constant 0 : i32
      %dma_start3A_177 = tpu.memref_slice %arg6[%add3A_175, %dma_start3A_176] : memref<512x64xf32, #tpu.memory_space<vmem>> -> memref<1x64xf32, #tpu.memory_space<vmem>>
      %dma_start3A_178 = tpu.memref_squeeze %dma_start3A_177 : memref<1x64xf32, #tpu.memory_space<vmem>> -> memref<64xf32, #tpu.memory_space<vmem>>
      %dma_start3A_179 = arith.constant 0 : i32
      %dma_start3A_180 = tpu.memref_slice %arg3[%squeeze3A_171, %dma_start3A_179] : memref<262144x64xf32, #tpu.memory_space<hbm>> -> memref<1x64xf32, #tpu.memory_space<hbm>>
      %dma_start3A_181 = tpu.memref_squeeze %dma_start3A_180 : memref<1x64xf32, #tpu.memory_space<hbm>> -> memref<64xf32, #tpu.memory_space<hbm>>
      %dma_start3A_182 = arith.constant 0 : i32
      %dma_start3A_183 = tpu.memref_slice %arg6[%add3A_175, %dma_start3A_182] : memref<512x64xf32, #tpu.memory_space<vmem>> -> memref<1x64xf32, #tpu.memory_space<vmem>>
      %dma_start3A_184 = tpu.memref_squeeze %dma_start3A_183 : memref<1x64xf32, #tpu.memory_space<vmem>> -> memref<64xf32, #tpu.memory_space<vmem>>
      %dma_start3A_185 = arith.constant 0 : i32
      %dma_start3A_186 = tpu.memref_slice %arg3[%squeeze3A_171, %dma_start3A_185] : memref<262144x64xf32, #tpu.memory_space<hbm>> -> memref<1x64xf32, #tpu.memory_space<hbm>>
      %dma_start3A_187 = tpu.memref_squeeze %dma_start3A_186 : memref<1x64xf32, #tpu.memory_space<hbm>> -> memref<64xf32, #tpu.memory_space<hbm>>
      tpu.enqueue_dma source(%dma_start3A_187 : memref<64xf32, #tpu.memory_space<hbm>>) target(%dma_start3A_184 : memref<64xf32, #tpu.memory_space<vmem>>) target_semaphore(%arg7 : memref<!tpu.dma_semaphore, #tpu.memory_space<semaphore_mem>>)
      %slice3A_188 = vector.extract_strided_slice %add3A_81 {offsets = [6], sizes = [1], strides = [1]} : vector<16xi32> to vector<1xi32>
      %squeeze3A_189 = vector.extract %slice3A_188[0] : i32 from vector<1xi32>
      %add3A_190 = arith.constant 0 : i32
      %add3A_191 = arith.addi %mul3A_59, %add3A_190 : i32
      %add3A_192 = arith.constant 6 : i32
      %add3A_193 = arith.addi %add3A_191, %add3A_192 : i32
      %dma_start3A_194 = arith.constant 0 : i32
      %dma_start3A_195 = tpu.memref_slice %arg6[%add3A_193, %dma_start3A_194] : memref<512x64xf32, #tpu.memory_space<vmem>> -> memref<1x64xf32, #tpu.memory_space<vmem>>
      %dma_start3A_196 = tpu.memref_squeeze %dma_start3A_195 : memref<1x64xf32, #tpu.memory_space<vmem>> -> memref<64xf32, #tpu.memory_space<vmem>>
      %dma_start3A_197 = arith.constant 0 : i32
      %dma_start3A_198 = tpu.memref_slice %arg3[%squeeze3A_189, %dma_start3A_197] : memref<262144x64xf32, #tpu.memory_space<hbm>> -> memref<1x64xf32, #tpu.memory_space<hbm>>
      %dma_start3A_199 = tpu.memref_squeeze %dma_start3A_198 : memref<1x64xf32, #tpu.memory_space<hbm>> -> memref<64xf32, #tpu.memory_space<hbm>>
      %dma_start3A_200 = arith.constant 0 : i32
      %dma_start3A_201 = tpu.memref_slice %arg6[%add3A_193, %dma_start3A_200] : memref<512x64xf32, #tpu.memory_space<vmem>> -> memref<1x64xf32, #tpu.memory_space<vmem>>
      %dma_start3A_202 = tpu.memref_squeeze %dma_start3A_201 : memref<1x64xf32, #tpu.memory_space<vmem>> -> memref<64xf32, #tpu.memory_space<vmem>>
      %dma_start3A_203 = arith.constant 0 : i32
      %dma_start3A_204 = tpu.memref_slice %arg3[%squeeze3A_189, %dma_start3A_203] : memref<262144x64xf32, #tpu.memory_space<hbm>> -> memref<1x64xf32, #tpu.memory_space<hbm>>
      %dma_start3A_205 = tpu.memref_squeeze %dma_start3A_204 : memref<1x64xf32, #tpu.memory_space<hbm>> -> memref<64xf32, #tpu.memory_space<hbm>>
      tpu.enqueue_dma source(%dma_start3A_205 : memref<64xf32, #tpu.memory_space<hbm>>) target(%dma_start3A_202 : memref<64xf32, #tpu.memory_space<vmem>>) target_semaphore(%arg7 : memref<!tpu.dma_semaphore, #tpu.memory_space<semaphore_mem>>)
      %slice3A_206 = vector.extract_strided_slice %add3A_81 {offsets = [7], sizes = [1], strides = [1]} : vector<16xi32> to vector<1xi32>
      %squeeze3A_207 = vector.extract %slice3A_206[0] : i32 from vector<1xi32>
      %add3A_208 = arith.constant 0 : i32
      %add3A_209 = arith.addi %mul3A_59, %add3A_208 : i32
      %add3A_210 = arith.constant 7 : i32
      %add3A_211 = arith.addi %add3A_209, %add3A_210 : i32
      %dma_start3A_212 = arith.constant 0 : i32
      %dma_start3A_213 = tpu.memref_slice %arg6[%add3A_211, %dma_start3A_212] : memref<512x64xf32, #tpu.memory_space<vmem>> -> memref<1x64xf32, #tpu.memory_space<vmem>>
      %dma_start3A_214 = tpu.memref_squeeze %dma_start3A_213 : memref<1x64xf32, #tpu.memory_space<vmem>> -> memref<64xf32, #tpu.memory_space<vmem>>
      %dma_start3A_215 = arith.constant 0 : i32
      %dma_start3A_216 = tpu.memref_slice %arg3[%squeeze3A_207, %dma_start3A_215] : memref<262144x64xf32, #tpu.memory_space<hbm>> -> memref<1x64xf32, #tpu.memory_space<hbm>>
      %dma_start3A_217 = tpu.memref_squeeze %dma_start3A_216 : memref<1x64xf32, #tpu.memory_space<hbm>> -> memref<64xf32, #tpu.memory_space<hbm>>
      %dma_start3A_218 = arith.constant 0 : i32
      %dma_start3A_219 = tpu.memref_slice %arg6[%add3A_211, %dma_start3A_218] : memref<512x64xf32, #tpu.memory_space<vmem>> -> memref<1x64xf32, #tpu.memory_space<vmem>>
      %dma_start3A_220 = tpu.memref_squeeze %dma_start3A_219 : memref<1x64xf32, #tpu.memory_space<vmem>> -> memref<64xf32, #tpu.memory_space<vmem>>
      %dma_start3A_221 = arith.constant 0 : i32
      %dma_start3A_222 = tpu.memref_slice %arg3[%squeeze3A_207, %dma_start3A_221] : memref<262144x64xf32, #tpu.memory_space<hbm>> -> memref<1x64xf32, #tpu.memory_space<hbm>>
      %dma_start3A_223 = tpu.memref_squeeze %dma_start3A_222 : memref<1x64xf32, #tpu.memory_space<hbm>> -> memref<64xf32, #tpu.memory_space<hbm>>
      tpu.enqueue_dma source(%dma_start3A_223 : memref<64xf32, #tpu.memory_space<hbm>>) target(%dma_start3A_220 : memref<64xf32, #tpu.memory_space<vmem>>) target_semaphore(%arg7 : memref<!tpu.dma_semaphore, #tpu.memory_space<semaphore_mem>>)
      %slice3A_224 = vector.extract_strided_slice %add3A_81 {offsets = [8], sizes = [1], strides = [1]} : vector<16xi32> to vector<1xi32>
      %squeeze3A_225 = vector.extract %slice3A_224[0] : i32 from vector<1xi32>
      %add3A_226 = arith.constant 0 : i32
      %add3A_227 = arith.addi %mul3A_59, %add3A_226 : i32
      %add3A_228 = arith.constant 8 : i32
      %add3A_229 = arith.addi %add3A_227, %add3A_228 : i32
      %dma_start3A_230 = arith.constant 0 : i32
      %dma_start3A_231 = tpu.memref_slice %arg6[%add3A_229, %dma_start3A_230] : memref<512x64xf32, #tpu.memory_space<vmem>> -> memref<1x64xf32, #tpu.memory_space<vmem>>
      %dma_start3A_232 = tpu.memref_squeeze %dma_start3A_231 : memref<1x64xf32, #tpu.memory_space<vmem>> -> memref<64xf32, #tpu.memory_space<vmem>>
      %dma_start3A_233 = arith.constant 0 : i32
      %dma_start3A_234 = tpu.memref_slice %arg3[%squeeze3A_225, %dma_start3A_233] : memref<262144x64xf32, #tpu.memory_space<hbm>> -> memref<1x64xf32, #tpu.memory_space<hbm>>
      %dma_start3A_235 = tpu.memref_squeeze %dma_start3A_234 : memref<1x64xf32, #tpu.memory_space<hbm>> -> memref<64xf32, #tpu.memory_space<hbm>>
      %dma_start3A_236 = arith.constant 0 : i32
      %dma_start3A_237 = tpu.memref_slice %arg6[%add3A_229, %dma_start3A_236] : memref<512x64xf32, #tpu.memory_space<vmem>> -> memref<1x64xf32, #tpu.memory_space<vmem>>
      %dma_start3A_238 = tpu.memref_squeeze %dma_start3A_237 : memref<1x64xf32, #tpu.memory_space<vmem>> -> memref<64xf32, #tpu.memory_space<vmem>>
      %dma_start3A_239 = arith.constant 0 : i32
      %dma_start3A_240 = tpu.memref_slice %arg3[%squeeze3A_225, %dma_start3A_239] : memref<262144x64xf32, #tpu.memory_space<hbm>> -> memref<1x64xf32, #tpu.memory_space<hbm>>
      %dma_start3A_241 = tpu.memref_squeeze %dma_start3A_240 : memref<1x64xf32, #tpu.memory_space<hbm>> -> memref<64xf32, #tpu.memory_space<hbm>>
      tpu.enqueue_dma source(%dma_start3A_241 : memref<64xf32, #tpu.memory_space<hbm>>) target(%dma_start3A_238 : memref<64xf32, #tpu.memory_space<vmem>>) target_semaphore(%arg7 : memref<!tpu.dma_semaphore, #tpu.memory_space<semaphore_mem>>)
      %slice3A_242 = vector.extract_strided_slice %add3A_81 {offsets = [9], sizes = [1], strides = [1]} : vector<16xi32> to vector<1xi32>
      %squeeze3A_243 = vector.extract %slice3A_242[0] : i32 from vector<1xi32>
      %add3A_244 = arith.constant 0 : i32
      %add3A_245 = arith.addi %mul3A_59, %add3A_244 : i32
      %add3A_246 = arith.constant 9 : i32
      %add3A_247 = arith.addi %add3A_245, %add3A_246 : i32
      %dma_start3A_248 = arith.constant 0 : i32
      %dma_start3A_249 = tpu.memref_slice %arg6[%add3A_247, %dma_start3A_248] : memref<512x64xf32, #tpu.memory_space<vmem>> -> memref<1x64xf32, #tpu.memory_space<vmem>>
      %dma_start3A_250 = tpu.memref_squeeze %dma_start3A_249 : memref<1x64xf32, #tpu.memory_space<vmem>> -> memref<64xf32, #tpu.memory_space<vmem>>
      %dma_start3A_251 = arith.constant 0 : i32
      %dma_start3A_252 = tpu.memref_slice %arg3[%squeeze3A_243, %dma_start3A_251] : memref<262144x64xf32, #tpu.memory_space<hbm>> -> memref<1x64xf32, #tpu.memory_space<hbm>>
      %dma_start3A_253 = tpu.memref_squeeze %dma_start3A_252 : memref<1x64xf32, #tpu.memory_space<hbm>> -> memref<64xf32, #tpu.memory_space<hbm>>
      %dma_start3A_254 = arith.constant 0 : i32
      %dma_start3A_255 = tpu.memref_slice %arg6[%add3A_247, %dma_start3A_254] : memref<512x64xf32, #tpu.memory_space<vmem>> -> memref<1x64xf32, #tpu.memory_space<vmem>>
      %dma_start3A_256 = tpu.memref_squeeze %dma_start3A_255 : memref<1x64xf32, #tpu.memory_space<vmem>> -> memref<64xf32, #tpu.memory_space<vmem>>
      %dma_start3A_257 = arith.constant 0 : i32
      %dma_start3A_258 = tpu.memref_slice %arg3[%squeeze3A_243, %dma_start3A_257] : memref<262144x64xf32, #tpu.memory_space<hbm>> -> memref<1x64xf32, #tpu.memory_space<hbm>>
      %dma_start3A_259 = tpu.memref_squeeze %dma_start3A_258 : memref<1x64xf32, #tpu.memory_space<hbm>> -> memref<64xf32, #tpu.memory_space<hbm>>
      tpu.enqueue_dma source(%dma_start3A_259 : memref<64xf32, #tpu.memory_space<hbm>>) target(%dma_start3A_256 : memref<64xf32, #tpu.memory_space<vmem>>) target_semaphore(%arg7 : memref<!tpu.dma_semaphore, #tpu.memory_space<semaphore_mem>>)
      %slice3A_260 = vector.extract_strided_slice %add3A_81 {offsets = [10], sizes = [1], strides = [1]} : vector<16xi32> to vector<1xi32>
      %squeeze3A_261 = vector.extract %slice3A_260[0] : i32 from vector<1xi32>
      %add3A_262 = arith.constant 0 : i32
      %add3A_263 = arith.addi %mul3A_59, %add3A_262 : i32
      %add3A_264 = arith.constant 10 : i32
      %add3A_265 = arith.addi %add3A_263, %add3A_264 : i32
      %dma_start3A_266 = arith.constant 0 : i32
      %dma_start3A_267 = tpu.memref_slice %arg6[%add3A_265, %dma_start3A_266] : memref<512x64xf32, #tpu.memory_space<vmem>> -> memref<1x64xf32, #tpu.memory_space<vmem>>
      %dma_start3A_268 = tpu.memref_squeeze %dma_start3A_267 : memref<1x64xf32, #tpu.memory_space<vmem>> -> memref<64xf32, #tpu.memory_space<vmem>>
      %dma_start3A_269 = arith.constant 0 : i32
      %dma_start3A_270 = tpu.memref_slice %arg3[%squeeze3A_261, %dma_start3A_269] : memref<262144x64xf32, #tpu.memory_space<hbm>> -> memref<1x64xf32, #tpu.memory_space<hbm>>
      %dma_start3A_271 = tpu.memref_squeeze %dma_start3A_270 : memref<1x64xf32, #tpu.memory_space<hbm>> -> memref<64xf32, #tpu.memory_space<hbm>>
      %dma_start3A_272 = arith.constant 0 : i32
      %dma_start3A_273 = tpu.memref_slice %arg6[%add3A_265, %dma_start3A_272] : memref<512x64xf32, #tpu.memory_space<vmem>> -> memref<1x64xf32, #tpu.memory_space<vmem>>
      %dma_start3A_274 = tpu.memref_squeeze %dma_start3A_273 : memref<1x64xf32, #tpu.memory_space<vmem>> -> memref<64xf32, #tpu.memory_space<vmem>>
      %dma_start3A_275 = arith.constant 0 : i32
      %dma_start3A_276 = tpu.memref_slice %arg3[%squeeze3A_261, %dma_start3A_275] : memref<262144x64xf32, #tpu.memory_space<hbm>> -> memref<1x64xf32, #tpu.memory_space<hbm>>
      %dma_start3A_277 = tpu.memref_squeeze %dma_start3A_276 : memref<1x64xf32, #tpu.memory_space<hbm>> -> memref<64xf32, #tpu.memory_space<hbm>>
      tpu.enqueue_dma source(%dma_start3A_277 : memref<64xf32, #tpu.memory_space<hbm>>) target(%dma_start3A_274 : memref<64xf32, #tpu.memory_space<vmem>>) target_semaphore(%arg7 : memref<!tpu.dma_semaphore, #tpu.memory_space<semaphore_mem>>)
      %slice3A_278 = vector.extract_strided_slice %add3A_81 {offsets = [11], sizes = [1], strides = [1]} : vector<16xi32> to vector<1xi32>
      %squeeze3A_279 = vector.extract %slice3A_278[0] : i32 from vector<1xi32>
      %add3A_280 = arith.constant 0 : i32
      %add3A_281 = arith.addi %mul3A_59, %add3A_280 : i32
      %add3A_282 = arith.constant 11 : i32
      %add3A_283 = arith.addi %add3A_281, %add3A_282 : i32
      %dma_start3A_284 = arith.constant 0 : i32
      %dma_start3A_285 = tpu.memref_slice %arg6[%add3A_283, %dma_start3A_284] : memref<512x64xf32, #tpu.memory_space<vmem>> -> memref<1x64xf32, #tpu.memory_space<vmem>>
      %dma_start3A_286 = tpu.memref_squeeze %dma_start3A_285 : memref<1x64xf32, #tpu.memory_space<vmem>> -> memref<64xf32, #tpu.memory_space<vmem>>
      %dma_start3A_287 = arith.constant 0 : i32
      %dma_start3A_288 = tpu.memref_slice %arg3[%squeeze3A_279, %dma_start3A_287] : memref<262144x64xf32, #tpu.memory_space<hbm>> -> memref<1x64xf32, #tpu.memory_space<hbm>>
      %dma_start3A_289 = tpu.memref_squeeze %dma_start3A_288 : memref<1x64xf32, #tpu.memory_space<hbm>> -> memref<64xf32, #tpu.memory_space<hbm>>
      %dma_start3A_290 = arith.constant 0 : i32
      %dma_start3A_291 = tpu.memref_slice %arg6[%add3A_283, %dma_start3A_290] : memref<512x64xf32, #tpu.memory_space<vmem>> -> memref<1x64xf32, #tpu.memory_space<vmem>>
      %dma_start3A_292 = tpu.memref_squeeze %dma_start3A_291 : memref<1x64xf32, #tpu.memory_space<vmem>> -> memref<64xf32, #tpu.memory_space<vmem>>
      %dma_start3A_293 = arith.constant 0 : i32
      %dma_start3A_294 = tpu.memref_slice %arg3[%squeeze3A_279, %dma_start3A_293] : memref<262144x64xf32, #tpu.memory_space<hbm>> -> memref<1x64xf32, #tpu.memory_space<hbm>>
      %dma_start3A_295 = tpu.memref_squeeze %dma_start3A_294 : memref<1x64xf32, #tpu.memory_space<hbm>> -> memref<64xf32, #tpu.memory_space<hbm>>
      tpu.enqueue_dma source(%dma_start3A_295 : memref<64xf32, #tpu.memory_space<hbm>>) target(%dma_start3A_292 : memref<64xf32, #tpu.memory_space<vmem>>) target_semaphore(%arg7 : memref<!tpu.dma_semaphore, #tpu.memory_space<semaphore_mem>>)
      %slice3A_296 = vector.extract_strided_slice %add3A_81 {offsets = [12], sizes = [1], strides = [1]} : vector<16xi32> to vector<1xi32>
      %squeeze3A_297 = vector.extract %slice3A_296[0] : i32 from vector<1xi32>
      %add3A_298 = arith.constant 0 : i32
      %add3A_299 = arith.addi %mul3A_59, %add3A_298 : i32
      %add3A_300 = arith.constant 12 : i32
      %add3A_301 = arith.addi %add3A_299, %add3A_300 : i32
      %dma_start3A_302 = arith.constant 0 : i32
      %dma_start3A_303 = tpu.memref_slice %arg6[%add3A_301, %dma_start3A_302] : memref<512x64xf32, #tpu.memory_space<vmem>> -> memref<1x64xf32, #tpu.memory_space<vmem>>
      %dma_start3A_304 = tpu.memref_squeeze %dma_start3A_303 : memref<1x64xf32, #tpu.memory_space<vmem>> -> memref<64xf32, #tpu.memory_space<vmem>>
      %dma_start3A_305 = arith.constant 0 : i32
      %dma_start3A_306 = tpu.memref_slice %arg3[%squeeze3A_297, %dma_start3A_305] : memref<262144x64xf32, #tpu.memory_space<hbm>> -> memref<1x64xf32, #tpu.memory_space<hbm>>
      %dma_start3A_307 = tpu.memref_squeeze %dma_start3A_306 : memref<1x64xf32, #tpu.memory_space<hbm>> -> memref<64xf32, #tpu.memory_space<hbm>>
      %dma_start3A_308 = arith.constant 0 : i32
      %dma_start3A_309 = tpu.memref_slice %arg6[%add3A_301, %dma_start3A_308] : memref<512x64xf32, #tpu.memory_space<vmem>> -> memref<1x64xf32, #tpu.memory_space<vmem>>
      %dma_start3A_310 = tpu.memref_squeeze %dma_start3A_309 : memref<1x64xf32, #tpu.memory_space<vmem>> -> memref<64xf32, #tpu.memory_space<vmem>>
      %dma_start3A_311 = arith.constant 0 : i32
      %dma_start3A_312 = tpu.memref_slice %arg3[%squeeze3A_297, %dma_start3A_311] : memref<262144x64xf32, #tpu.memory_space<hbm>> -> memref<1x64xf32, #tpu.memory_space<hbm>>
      %dma_start3A_313 = tpu.memref_squeeze %dma_start3A_312 : memref<1x64xf32, #tpu.memory_space<hbm>> -> memref<64xf32, #tpu.memory_space<hbm>>
      tpu.enqueue_dma source(%dma_start3A_313 : memref<64xf32, #tpu.memory_space<hbm>>) target(%dma_start3A_310 : memref<64xf32, #tpu.memory_space<vmem>>) target_semaphore(%arg7 : memref<!tpu.dma_semaphore, #tpu.memory_space<semaphore_mem>>)
      %slice3A_314 = vector.extract_strided_slice %add3A_81 {offsets = [13], sizes = [1], strides = [1]} : vector<16xi32> to vector<1xi32>
      %squeeze3A_315 = vector.extract %slice3A_314[0] : i32 from vector<1xi32>
      %add3A_316 = arith.constant 0 : i32
      %add3A_317 = arith.addi %mul3A_59, %add3A_316 : i32
      %add3A_318 = arith.constant 13 : i32
      %add3A_319 = arith.addi %add3A_317, %add3A_318 : i32
      %dma_start3A_320 = arith.constant 0 : i32
      %dma_start3A_321 = tpu.memref_slice %arg6[%add3A_319, %dma_start3A_320] : memref<512x64xf32, #tpu.memory_space<vmem>> -> memref<1x64xf32, #tpu.memory_space<vmem>>
      %dma_start3A_322 = tpu.memref_squeeze %dma_start3A_321 : memref<1x64xf32, #tpu.memory_space<vmem>> -> memref<64xf32, #tpu.memory_space<vmem>>
      %dma_start3A_323 = arith.constant 0 : i32
      %dma_start3A_324 = tpu.memref_slice %arg3[%squeeze3A_315, %dma_start3A_323] : memref<262144x64xf32, #tpu.memory_space<hbm>> -> memref<1x64xf32, #tpu.memory_space<hbm>>
      %dma_start3A_325 = tpu.memref_squeeze %dma_start3A_324 : memref<1x64xf32, #tpu.memory_space<hbm>> -> memref<64xf32, #tpu.memory_space<hbm>>
      %dma_start3A_326 = arith.constant 0 : i32
      %dma_start3A_327 = tpu.memref_slice %arg6[%add3A_319, %dma_start3A_326] : memref<512x64xf32, #tpu.memory_space<vmem>> -> memref<1x64xf32, #tpu.memory_space<vmem>>
      %dma_start3A_328 = tpu.memref_squeeze %dma_start3A_327 : memref<1x64xf32, #tpu.memory_space<vmem>> -> memref<64xf32, #tpu.memory_space<vmem>>
      %dma_start3A_329 = arith.constant 0 : i32
      %dma_start3A_330 = tpu.memref_slice %arg3[%squeeze3A_315, %dma_start3A_329] : memref<262144x64xf32, #tpu.memory_space<hbm>> -> memref<1x64xf32, #tpu.memory_space<hbm>>
      %dma_start3A_331 = tpu.memref_squeeze %dma_start3A_330 : memref<1x64xf32, #tpu.memory_space<hbm>> -> memref<64xf32, #tpu.memory_space<hbm>>
      tpu.enqueue_dma source(%dma_start3A_331 : memref<64xf32, #tpu.memory_space<hbm>>) target(%dma_start3A_328 : memref<64xf32, #tpu.memory_space<vmem>>) target_semaphore(%arg7 : memref<!tpu.dma_semaphore, #tpu.memory_space<semaphore_mem>>)
      %slice3A_332 = vector.extract_strided_slice %add3A_81 {offsets = [14], sizes = [1], strides = [1]} : vector<16xi32> to vector<1xi32>
      %squeeze3A_333 = vector.extract %slice3A_332[0] : i32 from vector<1xi32>
      %add3A_334 = arith.constant 0 : i32
      %add3A_335 = arith.addi %mul3A_59, %add3A_334 : i32
      %add3A_336 = arith.constant 14 : i32
      %add3A_337 = arith.addi %add3A_335, %add3A_336 : i32
      %dma_start3A_338 = arith.constant 0 : i32
      %dma_start3A_339 = tpu.memref_slice %arg6[%add3A_337, %dma_start3A_338] : memref<512x64xf32, #tpu.memory_space<vmem>> -> memref<1x64xf32, #tpu.memory_space<vmem>>
      %dma_start3A_340 = tpu.memref_squeeze %dma_start3A_339 : memref<1x64xf32, #tpu.memory_space<vmem>> -> memref<64xf32, #tpu.memory_space<vmem>>
      %dma_start3A_341 = arith.constant 0 : i32
      %dma_start3A_342 = tpu.memref_slice %arg3[%squeeze3A_333, %dma_start3A_341] : memref<262144x64xf32, #tpu.memory_space<hbm>> -> memref<1x64xf32, #tpu.memory_space<hbm>>
      %dma_start3A_343 = tpu.memref_squeeze %dma_start3A_342 : memref<1x64xf32, #tpu.memory_space<hbm>> -> memref<64xf32, #tpu.memory_space<hbm>>
      %dma_start3A_344 = arith.constant 0 : i32
      %dma_start3A_345 = tpu.memref_slice %arg6[%add3A_337, %dma_start3A_344] : memref<512x64xf32, #tpu.memory_space<vmem>> -> memref<1x64xf32, #tpu.memory_space<vmem>>
      %dma_start3A_346 = tpu.memref_squeeze %dma_start3A_345 : memref<1x64xf32, #tpu.memory_space<vmem>> -> memref<64xf32, #tpu.memory_space<vmem>>
      %dma_start3A_347 = arith.constant 0 : i32
      %dma_start3A_348 = tpu.memref_slice %arg3[%squeeze3A_333, %dma_start3A_347] : memref<262144x64xf32, #tpu.memory_space<hbm>> -> memref<1x64xf32, #tpu.memory_space<hbm>>
      %dma_start3A_349 = tpu.memref_squeeze %dma_start3A_348 : memref<1x64xf32, #tpu.memory_space<hbm>> -> memref<64xf32, #tpu.memory_space<hbm>>
      tpu.enqueue_dma source(%dma_start3A_349 : memref<64xf32, #tpu.memory_space<hbm>>) target(%dma_start3A_346 : memref<64xf32, #tpu.memory_space<vmem>>) target_semaphore(%arg7 : memref<!tpu.dma_semaphore, #tpu.memory_space<semaphore_mem>>)
      %slice3A_350 = vector.extract_strided_slice %add3A_81 {offsets = [15], sizes = [1], strides = [1]} : vector<16xi32> to vector<1xi32>
      %squeeze3A_351 = vector.extract %slice3A_350[0] : i32 from vector<1xi32>
      %add3A_352 = arith.constant 0 : i32
      %add3A_353 = arith.addi %mul3A_59, %add3A_352 : i32
      %add3A_354 = arith.constant 15 : i32
      %add3A_355 = arith.addi %add3A_353, %add3A_354 : i32
      %dma_start3A_356 = arith.constant 0 : i32
      %dma_start3A_357 = tpu.memref_slice %arg6[%add3A_355, %dma_start3A_356] : memref<512x64xf32, #tpu.memory_space<vmem>> -> memref<1x64xf32, #tpu.memory_space<vmem>>
      %dma_start3A_358 = tpu.memref_squeeze %dma_start3A_357 : memref<1x64xf32, #tpu.memory_space<vmem>> -> memref<64xf32, #tpu.memory_space<vmem>>
      %dma_start3A_359 = arith.constant 0 : i32
      %dma_start3A_360 = tpu.memref_slice %arg3[%squeeze3A_351, %dma_start3A_359] : memref<262144x64xf32, #tpu.memory_space<hbm>> -> memref<1x64xf32, #tpu.memory_space<hbm>>
      %dma_start3A_361 = tpu.memref_squeeze %dma_start3A_360 : memref<1x64xf32, #tpu.memory_space<hbm>> -> memref<64xf32, #tpu.memory_space<hbm>>
      %dma_start3A_362 = arith.constant 0 : i32
      %dma_start3A_363 = tpu.memref_slice %arg6[%add3A_355, %dma_start3A_362] : memref<512x64xf32, #tpu.memory_space<vmem>> -> memref<1x64xf32, #tpu.memory_space<vmem>>
      %dma_start3A_364 = tpu.memref_squeeze %dma_start3A_363 : memref<1x64xf32, #tpu.memory_space<vmem>> -> memref<64xf32, #tpu.memory_space<vmem>>
      %dma_start3A_365 = arith.constant 0 : i32
      %dma_start3A_366 = tpu.memref_slice %arg3[%squeeze3A_351, %dma_start3A_365] : memref<262144x64xf32, #tpu.memory_space<hbm>> -> memref<1x64xf32, #tpu.memory_space<hbm>>
      %dma_start3A_367 = tpu.memref_squeeze %dma_start3A_366 : memref<1x64xf32, #tpu.memory_space<hbm>> -> memref<64xf32, #tpu.memory_space<hbm>>
      tpu.enqueue_dma source(%dma_start3A_367 : memref<64xf32, #tpu.memory_space<hbm>>) target(%dma_start3A_364 : memref<64xf32, #tpu.memory_space<vmem>>) target_semaphore(%arg7 : memref<!tpu.dma_semaphore, #tpu.memory_space<semaphore_mem>>)
    }
    %scan3A_46 = arith.constant 32 : i32
    %dma_wait3A_47 = arith.constant 0 : i32
    %dma_wait3A_48 = arith.constant 0 : i32
    %dma_wait3A_49 = tpu.memref_slice %arg3[%dma_wait3A_47, %dma_wait3A_48] : memref<262144x64xf32, #tpu.memory_space<hbm>> -> memref<512x64xf32, #tpu.memory_space<hbm>>
    %dma_wait3A_50 = arith.constant 0 : i32
    %dma_wait3A_51 = arith.constant 0 : i32
    %dma_wait3A_52 = tpu.memref_slice %arg3[%dma_wait3A_50, %dma_wait3A_51] : memref<262144x64xf32, #tpu.memory_space<hbm>> -> memref<512x64xf32, #tpu.memory_space<hbm>>
    tpu.wait_dma2 semaphore(%arg7 : memref<!tpu.dma_semaphore, #tpu.memory_space<semaphore_mem>>) src(%dma_wait3A_52 : memref<512x64xf32, #tpu.memory_space<hbm>>) dst(%arg6 : memref<512x64xf32, #tpu.memory_space<vmem>>)
    "tpu.region"() ({
      %run_scoped3A = tpu.sem_alloc : memref<!tpu.dma_semaphore, #tpu.memory_space<semaphore_mem>>
      %dma_start3A_53 = arith.constant 0 : i32
      %dma_start3A_54 = tpu.memref_slice %arg4[%multiple_of3A, %dma_start3A_53] : memref<16384x64xf32, #tpu.memory_space<hbm>> -> memref<512x64xf32, #tpu.memory_space<hbm>>
      %dma_start3A_55 = arith.constant 0 : i32
      %dma_start3A_56 = tpu.memref_slice %arg4[%multiple_of3A, %dma_start3A_55] : memref<16384x64xf32, #tpu.memory_space<hbm>> -> memref<512x64xf32, #tpu.memory_space<hbm>>
      tpu.enqueue_dma source(%arg6 : memref<512x64xf32, #tpu.memory_space<vmem>>) target(%dma_start3A_56 : memref<512x64xf32, #tpu.memory_space<hbm>>) target_semaphore(%run_scoped3A : memref<!tpu.dma_semaphore, #tpu.memory_space<semaphore_mem>>)
      %dma_wait3A_57 = arith.constant 0 : i32
      %dma_wait3A_58 = tpu.memref_slice %arg4[%multiple_of3A, %dma_wait3A_57] : memref<16384x64xf32, #tpu.memory_space<hbm>> -> memref<512x64xf32, #tpu.memory_space<hbm>>
      %dma_wait3A_59 = arith.constant 0 : i32
      %dma_wait3A_60 = tpu.memref_slice %arg4[%multiple_of3A, %dma_wait3A_59] : memref<16384x64xf32, #tpu.memory_space<hbm>> -> memref<512x64xf32, #tpu.memory_space<hbm>>
      tpu.wait_dma2 semaphore(%run_scoped3A : memref<!tpu.dma_semaphore, #tpu.memory_space<semaphore_mem>>) src(%arg6 : memref<512x64xf32, #tpu.memory_space<vmem>>) dst(%dma_wait3A_60 : memref<512x64xf32, #tpu.memory_space<hbm>>)
      tpu.yield
    }) : () -> ()
    return
  }
}

</mosaic_0001>

<sc_bundles>
// kernel: kernel.3.cloned.1.call-start
scs
__scs_entry_jumppad:
0x0: {  	(pc) =	sbr.rel $0x88, $3  }
0x1: {  	(tag) =	ssettag $0x0;
	lr =	simm.s32 $0x1  }
0x2: {  	[smem:$0x3F9F] =	sst lr;
	_ =	strace $0xD0000000  }
0x3: {  	_ = 	snop  }
0x4: {  	_ = 	snop  }
0x5: {  	_ = 	snop  }
0x6: {  	_ = 	snop  }
0x7: {  	_ = 	snop  }
__scs_overlays_trampoline_lowered:
0x8: {  	[smem:$0x3FAE] =	sst s0  }
0x9: {  	[smem:$0x3FAF] =	sst s1  }
0xa: {  	[smem:$0x3FB0] =	sst s2  }
0xb: {  	[smem:$0x3FB1] =	sst s3  }
0xc: {  	[smem:$0x3FB2] =	sst s4  }
0xd: {  	[smem:$0x3FB3] =	sst s5  }
0xe: {  	[smem:$0x3FB4] =	sst s6  }
0xf: {  	[smem:$0x3FB5] =	sst s7  }
0x10: {  	[smem:$0x3FB6] =	sst s8  }
0x11: {  	[smem:$0x3FB7] =	sst s9;
	s0 =	simm.s32 @!p0 $0x0  }
0x12: {  	s1 =	sld [smem:$0x3F9D];
	s0 =	simm.s32 @p0 $0x1  }
0x13: {  	[smem:$0x3FB8] =	sst s0;
	s0 =	simm.s32 @!p1 $0x0  }
0x14: {  	s2 =	sld [smem:$0x3F9C];
	s0 =	simm.s32 @p1 $0x1  }
0x15: {  	[smem:$0x3FB9] =	sst s0;
	s0 =	simm.s32 @!p2 $0x0  }
0x16: {  	s3 =	sld [smem:$0x3FDB];
	s0 =	simm.s32 @p2 $0x1  }
0x17: {  	s4 =	simm.s32 $0x1BF5;
	[smem:$0x3FBB] =	sst s0  }
0x18: {  	s0 =	sld [smem:$0x3F9E];
	_ =	swait.ge [sflag:s4], $0x0  }
0x19: {  	s7 =	sld [smem:$0x3F9F]  }
0x1a: {  	s8 =	sadd.s32 $0xFFFFE003, lr  }
0x1b: {  	s9 =	sadd.s32 $0xFFFFFEF7, lr;
	s5 =	simm.s32 $0xFFFFFFFF;
	p2 =	slt.u32 s8, $0xFFFFF086  }
0x1c: {  	p1 =	slt.u32 s9, $0xF7A;
	s5 =	simm.s32 @!p2 $0x0  }
0x1d: {  	s5 =	simm.s32 @p1 $0x1;
	p0 =	seq.s32 s7, s2  }
0x1e: {  	s7 =	smul.u32 @!p0 $0xF7A, s2;
	p2 =	seq.s32 @!p0 s5, $0x0  }
0x1f: {  	s9 =	smul.u32 $0xF7A, s1;
	s8 =	simm.s32 @!p0 $0x1BF5;
	p2 =	por !p2, p0  }
0x20: {  	[sflag:s8] =	ssyncset.s32 @!p0 $0xFFFFF086;
	s6 =	sadd.s32 @!p0 s3, s7;
	s7 =	simm.s32 @!p0 $0x108  }
0x21: {  	s3 =	sadd.s32 s3, s9;
	s6 =	sadd.s32 @!p0 $0x88, s6;
	s7 =	simm.s32 @p2 $0x1082  }
0x22: {  	[simem:s7], [sflag:s8] =	dma.local @!p0 [hbm:s6], $0xF7A  }
0x23: {  	s9 =	sor.u32 $0xD0000000, s2;
	s6 =	simm.s32 $0x108;
	_ =	swait.ge @!p0 [sflag:s8], $0x0  }
0x24: {  	s3 =	sadd.s32 $0x88, s3;
	s6 =	simm.s32 @!p1 $0x1082;
	[sflag:s4] =	ssyncset.s32 $0xFFFFF086  }
0x25: {  	[simem:s6], [sflag:s4] =	dma.local [hbm:s3], $0xF7A  }
0x26: {  	[smem:$0x3F9F] =	sst s1;
	(tag) =	ssettag s2;
	_ =	strace s9  }
0x27: {  	s1 =	sld [smem:$0x3FAF]  }
0x28: {  	s2 =	sld [smem:$0x3FB0]  }
0x29: {  	s4 =	sld [smem:$0x3FB2]  }
0x2a: {  	p0 =	seq.s32 s5, $0x0;
	s5 =	sld [smem:$0x3FB3]  }
0x2b: {  	s6 =	sld [smem:$0x3FB4]  }
0x2c: {  	s7 =	sld [smem:$0x3FB5]  }
0x2d: {  	s3 =	simm.s32 $0x108;
	s8 =	sld [smem:$0x3FB6]  }
0x2e: {  	s3 =	simm.s32 @!p0 $0x1082;
	s9 =	sld [smem:$0x3FB7]  }
0x2f: {  	lr =	sadd.s32 s0, s3;
	s0 =	sld [smem:$0x3FAE]  }
0x30: {  	s3 =	sld [smem:$0x3FB1]  }
0x31: {  	[smem:$0x3FBA] =	sst s10  }
0x32: {  	s10 =	sld [smem:$0x3FB8];
	_ =	sdelay $0x3  }
0x33: {  	p0 =	seq.s32 s10, $0x1;
	s10 =	sld [smem:$0x3FBA];
	_ =	sdelay $0x3  }
0x34: {  	[smem:$0x3FBA] =	sst s10  }
0x35: {  	s10 =	sld [smem:$0x3FB9];
	_ =	sdelay $0x3  }
0x36: {  	p1 =	seq.s32 s10, $0x1;
	s10 =	sld [smem:$0x3FBA];
	_ =	sdelay $0x3  }
0x37: {  	[smem:$0x3FBA] =	sst s10  }
0x38: {  	s10 =	sld [smem:$0x3FBB]  }
0x39: {  	_ = 	snop;
	(pc) =	sbr.ind lr, $3  }
0x3a: {  	_ = 	snop  }
0x3b: {  	_ = 	snop  }
0x3c: {  	p2 =	seq.s32 s10, $0x1;
	s10 =	sld [smem:$0x3FBA]  }
0x3d: {  	_ =	shalt  }
0x3e: {  	_ =	shalt  }
0x3f: {  	_ =	shalt  }
0x40: {  	_ =	shalt  }
0x41: {  	_ =	shalt  }
0x42: {  	_ =	shalt  }
0x43: {  	_ =	shalt  }
0x44: {  	_ =	shalt  }
0x45: {  	_ =	shalt  }
0x46: {  	_ =	shalt  }
0x47: {  	_ =	shalt  }
0x48: {  	_ =	shalt  }
0x49: {  	_ =	shalt  }
0x4a: {  	_ =	shalt  }
0x4b: {  	_ =	shalt  }
0x4c: {  	_ =	shalt  }
0x4d: {  	_ =	shalt  }
0x4e: {  	_ =	shalt  }
0x4f: {  	_ =	shalt  }
0x50: {  	_ =	shalt  }
0x51: {  	_ =	shalt  }
0x52: {  	_ =	shalt  }
0x53: {  	_ =	shalt  }
0x54: {  	_ =	shalt  }
0x55: {  	_ =	shalt  }
0x56: {  	_ =	shalt  }
0x57: {  	_ =	shalt  }
0x58: {  	_ =	shalt  }
0x59: {  	_ =	shalt  }
0x5a: {  	_ =	shalt  }
0x5b: {  	_ =	shalt  }
0x5c: {  	_ =	shalt  }
0x5d: {  	_ =	shalt  }
0x5e: {  	_ =	shalt  }
0x5f: {  	_ =	shalt  }
0x60: {  	_ =	shalt  }
0x61: {  	_ =	shalt  }
0x62: {  	_ =	shalt  }
0x63: {  	_ =	shalt  }
0x64: {  	_ =	shalt  }
0x65: {  	_ =	shalt  }
0x66: {  	_ =	shalt  }
0x67: {  	_ =	shalt  }
0x68: {  	_ =	shalt  }
0x69: {  	_ =	shalt  }
0x6a: {  	_ =	shalt  }
0x6b: {  	_ =	shalt  }
0x6c: {  	_ =	shalt  }
0x6d: {  	_ =	shalt  }
0x6e: {  	_ =	shalt  }
0x6f: {  	_ =	shalt  }
0x70: {  	_ =	shalt  }
0x71: {  	_ =	shalt  }
0x72: {  	_ =	shalt  }
0x73: {  	_ =	shalt  }
0x74: {  	_ =	shalt  }
0x75: {  	_ =	shalt  }
0x76: {  	_ =	shalt  }
0x77: {  	_ =	shalt  }
0x78: {  	_ =	shalt  }
0x79: {  	_ =	shalt  }
0x7a: {  	_ =	shalt  }
0x7b: {  	_ =	shalt  }
0x7c: {  	_ =	shalt  }
0x7d: {  	_ =	shalt  }
0x7e: {  	_ =	shalt  }
0x7f: {  	_ =	shalt  }
0x80: {  	_ =	shalt  }
0x81: {  	_ =	shalt  }
0x82: {  	_ =	shalt  }
0x83: {  	_ =	shalt  }
0x84: {  	_ =	shalt  }
0x85: {  	_ =	shalt  }
0x86: {  	_ =	shalt  }
0x87: {  	_ =	shalt  }
.Lfunc_end0:
.L_simem_size_0:
called_computation_lowered:
.L_overlay_start_0:
0x88: {  	s2 =	sld [smem:$0x3FD9]  }
0x89: {  	s3 =	sld [smem:$0x3FFE];
	_ =	sdelay $0x1  }
0x8a: {  	s1 =	srdreg.scid  }
0x8b: {  	s0 =	sand.u32 $0x1, s1  }
0x8c: {  	s17 =	sshll.u32 s0, $0xA;
	s2 =	sadd.s32 s3, s2  }
0x8d: {  	s2 =	sadd.s32 s2, s17  }
0x8e: {  	[smem:$0x3FC6] =	sst s2  }
0x8f: {  	_ = 	snop  }
0x90: {  	s2 =	sld [smem:$0x3FC8]  }
0x91: {  	s18 =	sld [smem:$0x3FD0];
	(tm) =	ssettm $0x1  }
0x92: {  	s4 =	sld [smem:$0x3FFB];
	_ =	sdelay $0x3  }
0x93: {  	_ =	strace s4  }
0x94: {  	s4 =	sld [smem:$0x3FFC];
	_ =	sdelay $0x3  }
0x95: {  	_ =	strace s4  }
0x96: {  	s4 =	sld [smem:$0x3FFD];
	_ =	sdelay $0x3  }
0x97: {  	_ =	strace s4  }
0x98: {  	_ =	strace $0x8FFFFFFF  }
0x99: {  	s19 =	sld [smem:$0x3FDB];
	_ =	sdelay $0x1  }
0x9a: {  	s5 =	simm.s32 $_scs_section_size  }
0x9b: {  	s6 =	simm.s32 $_size__tile_overlayer_lowered;
	s7 =	simm.s32 $_tile_overlayer_lowered  }
0x9c: {  	s22 =	simm.s32 $0x1BFF;
	s21 =	sshll.u32 s7, $0x1;
	s4 =	sadd.s32 s5, s19  }
0x9d: {  	s8 =	simm.s32 $0x0;
	s20 =	sshll.u32 s6, $0x1;
	s6 =	sadd.s32 s21, s4  }
0x9e: {  	[timem:s8], [sflag:s22] =	dma.local [hbm:s6], s20  }
0x9f: {  	_ =	swait.ge [sflag:s22], s20  }
0xa0: {  	s5 =	ssub.s32 $0x0, s20;
	[sflag:s22] =	ssyncset.done $0x0  }
0xa1: {  	[sflag:s22] =	ssyncadd.s32 s5;
	_ =	sdelay $0x1  }
0xa2: {  	s23 =	simm.s32 $0x1B8B  }
0xa3: {  	_ =	swait.ge [sflag:s23], $0x1  }
0xa4: {  	[sflag:s23] =	ssyncset.done $0x0  }
0xa5: {  	s25 =	simm.s32 $0x1B8E;
	s24 =	sld [smem:$0x3FFE];
	[sflag:s23] =	ssyncadd.s32 $0xFFFFFFFF  }
0xa6: {  	s26 =	simm.s32 $execute0_lowered;
	[smem:$0x3FD2] =	sst s25  }
0xa7: {  	s6 =	sshll.u32 s26, $0x1;
	_ =	strace $0x80000046;
	[dreg:$0x1] =	wrdreg $0xFFFFFFFF  }
0xa8: {  	s28 =	simm.s32 $_size_execute0_lowered;
	s4 =	sadd.s32 s4, s6;
	[dreg:$0x0] =	wrdreg $0x0  }
0xa9: {  	s6 =	sshll.u32 s28, $0x1;
	[dreg:$0x2] =	wrdreg s4  }
0xaa: {  	[dreg:$0x3] =	wrdreg s6  }
0xab: {  	[dreg:$0x4] =	wrdreg $0xC0  }
0xac: {  	_ =	task [dreg:s8], $0x5FFFF  }
0xad: {  	[dreg:$0x1] =	wrdreg $0xFFFFFFFF  }
0xae: {  	[dreg:$0x0] =	wrdreg $0x60  }
0xaf: {  	[dreg:$0x2] =	wrdreg s18  }
0xb0: {  	[dreg:$0x3] =	wrdreg s2  }
0xb1: {  	[dreg:$0x4] =	wrdreg s24  }
0xb2: {  	[dreg:$0x5] =	wrdreg $0x9  }
0xb3: {  	_ =	task.clear_ibuf [dreg:s8], $0x6FFFF;
	_ =	strace $0x90000046  }
0xb4: {  	s29 =	simm.s32 $0x9;
	_ =	strace $0x80000048  }
0xb5: {  	_ =	swait.ge [sflag:s29], $0x1  }
0xb6: {  	[sflag:s29] =	ssyncadd.s32 $0xFFFFFFFF  }
0xb7: {  	_ =	strace $0x90000048  }
0xb8: {  	_ =	sfence  }
0xb9: {  	s30 =	sld [smem:$0x0];
	_ =	sdelay $0x2  }
0xba: {  	s31 =	sshll.u32 s1, $0xD;
	s1 =	sshrl.u32 s1, $0x2  }
0xbb: {  	s3 =	sand.u32 $0x4000, s31;
	s1 =	sadd.s32 s1, s30  }
0xbc: {  	s0 =	sor.u32 s3, s0;
	s1 =	sshll.u32 s1, $0x11  }
0xbd: {  	s0 =	sor.u32 s1, s0  }
0xbe: {  	s0 =	sadd.s32 $0x8F2B, s0  }
0xbf: {  	[sflag:s0] =	ssyncadd.remote.s32 $0x1  }
0xc0: {  	_ =	sfence.sel $0xFFFF  }
0xc1: {  	[dreg:$0x0] =	wrdreg $0xFFFFFFFF;
	(pc) =	sbr.abs _section_cstart, $3  }
0xc2: {  	[dreg:$0x1] =	wrdreg $0xFFFFFFFF  }
0xc3: {  	_ =	task.clear_ibuf [dreg:s8], $0x2FFFF;
	_ =	strace $0x9FFFFFFF  }
0xc4: {  	(tm) =	ssettm $0x7FFFFFFF  }
0xc5: {  	_ =	shalt  }
tec
execute0_lowered:
.L_overlay_start_1:
0x0: {  	(tag) =	ssettag $0x1  }
0x1: {  	s4 =	rddreg [dreg:$0x0]  }
0x2: {  	s2 =	rddreg [dreg:$0x1]  }
0x3: {  	s5 =	rddreg [dreg:$0x2]  }
0x4: {  	s3 =	srdreg.scid;
	s0 =	stileid.u32  }
0x5: {  	s10 =	simm.s32 $0x400;
	s11 =	simm.s32 $0x1;
	s12 =	simm.s32 $0x600  }
0x6: {  	s13 =	simm.s32 $0x2;
	s14 =	simm.s32 $0x0;
	s6 =	sand.u32 $0x1, s3  }
0x7: {  	s3 =	simm.s32 $0x0;
	s7 =	sshll.u32 s0, $0xA;
	s8 =	sshll.u32 s6, $0x9  }
0x8: {  	[smem:$0x7FF] =	sst s3;
	s6 =	ssub.s32 $0x2, s6;
	s7 =	sor.u32 s8, s7  }
0x9: {  	_ =	strace $0x80000047;
	s9 =	sshrl.u32 s6, $0x1;
	s8 =	sshrl.u32 s7, $0x3  }
0xa: {  	s7 =	sshll.u32 s7, $0x4;
	s31 =	ssub.s32 s6, s9;
	s9 =	simm.s32 $0x200  }
0xb: {  	s4 =	sadd.s32 s4, s8;
	s7 =	sadd.s32 s7, s5;
	s8 =	smax.u32 s31, $0x1  }
0xc: {  	s5 =	sadd.s32 $0x800, s4;
	s6 =	sadd.s32 $0x1000, s4;
	s7 =	sadd.s32 $0x400, s7  }
.LBB2_1:
0xd: {  	[tilespmem:s3], [sflag:$0x1] =	stream.linear.gather [hbm4b:s4+s3], $0x200, $0x38;
	[tilespmem:$0x10600] =	vst v63  }
0xe: {  	_ = 	snop  }
0xf: {  	[tilespmem:s9], [sflag:$0x1] =	stream.linear.gather [hbm4b:s5+s3], $0x200, $0x38;
	[tilespmem:$0x10600] =	vst v63  }
0x10: {  	_ = 	snop  }
0x11: {  	[tilespmem:s10], [sflag:$0x1] =	stream.linear.gather [hbm4b:s6+s3], $0x200, $0x38;
	[tilespmem:$0x10600] =	vst v63  }
0x12: {  	_ =	swait.ge [sflag:s11], $0x200  }
0x13: {  	[sflag:s11] =	ssyncset.done $0x0  }
0x14: {  	[sflag:s11] =	ssyncadd.s32 $0xFFFFFE00  }
0x15: {  	_ =	swait.ge [sflag:s11], $0x200  }
0x16: {  	[sflag:s11] =	ssyncset.done $0x0  }
0x17: {  	[sflag:s11] =	ssyncadd.s32 $0xFFFFFE00  }
0x18: {  	_ =	swait.ge [sflag:s11], $0x200  }
0x19: {  	[sflag:s11] =	ssyncset.done $0x0  }
0x1a: {  	s15 =	sand.u32 $0x1F0, s3;
	[sflag:s11] =	ssyncadd.s32 $0xFFFFFE00  }
0x1b: {  	v0 =	vld [tilespmem:s15+$0x200]  }
0x1c: {  	v1 =	vld [tilespmem:s3+$0x0];
	_ =	sdelay $0x1  }
0x1d: {  	v2 =	vld [tilespmem:s15+$0x400];
	_ =	sdelay $0x2  }
0x1e: {  	v1 =	vshll.u32 v1, $0xC;
	v0 =	vshll.u32 v0, $0x6  }
0x1f: {  	v0 =	vadd.s32 v1, v0  }
0x20: {  	v0 =	vadd.s32 v2, v0  }
0x21: {  	v0 =	vshll.u32 v0, $0x4  }
0x22: {  	(v2sf) =	vpush v0, $0x0  }
0x23: {  	(v2sf) =	vpush v0, $0x1  }
0x24: {  	(v2sf) =	vpush v0, $0x2;
	_ =	sdelay $0x1  }
0x25: {  	(v2sf) =	vpush v0, $0x3;
	_ =	sdelay $0x2  }
0x26: {  	(v2sf) =	vpush v0, $0x4;
	_ =	sdelay $0x1  }
0x27: {  	(v2sf) =	vpush v0, $0x5;
	_ =	sdelay $0x1  }
0x28: {  	(v2sf) =	vpush v0, $0x6  }
0x29: {  	s18 =	simm.s32 $0x0;
	s16 =	simm.s32 $0x10;
	s20 =	simm.s32 $0x800  }
0x2a: {  	s21 =	simm.s32 $0xA80;
	s19 =	simm.s32 $0xB00;
	s22 =	simm.s32 $0x600;
	(v2sf) =	vpush v0, $0x7  }
0x2b: {  	s23 =	simm.s32 $0x680;
	s24 =	simm.s32 $0x880;
	s25 =	simm.s32 $0x900  }
0x2c: {  	s26 =	simm.s32 $0x980;
	s17 =	simm.s32 $0x10;
	s28 =	spop (v2sf);
	(v2sf) =	vpush v0, $0x8  }
0x2d: {  	s31 =	simm.s32 $0x700;
	s28 =	sand.u32 $0x1FFFFFF0, s28;
	s29 =	spop (v2sf)  }
0x2e: {  	s15 =	simm.s32 $0x2000;
	(v2sf) =	vpush v0, $0x9;
	s28 =	sadd.s32 s2, s28;
	s30 =	spop (v2sf)  }
0x2f: {  	[tilespmem:s22], [sflag:$0x1] =	stream.linear.gather [hbm4b:s28+s3], $0x80, $0x38;
	[tilespmem:$0x10600] =	vst v63  }
0x30: {  	s29 =	sand.u32 $0x1FFFFFF0, s29;
	(v2sf) =	vpush v0, $0xA;
	s1 =	sand.u32 $0x1FFFFFF0, s30;
	s30 =	spop (v2sf)  }
0x31: {  	s0 =	sadd.s32 s2, s29;
	(v2sf) =	vpush v0, $0xB;
	s29 =	sadd.s32 s2, s1;
	s28 =	sand.u32 $0x1FFFFFF0, s30  }
0x32: {  	[tilespmem:s23], [sflag:$0x1] =	stream.linear.gather [hbm4b:s0+s3], $0x80, $0x38;
	[tilespmem:$0x10600] =	vst v63  }
0x33: {  	s23 =	simm.s32 $0xA00;
	s0 =	spop (v2sf);
	s28 =	sadd.s32 s2, s28  }
0x34: {  	[tilespmem:s31], [sflag:$0x1] =	stream.linear.gather [hbm4b:s29+s3], $0x80, $0x38;
	[tilespmem:$0x10600] =	vst v63  }
0x35: {  	(v2sf) =	vpush v0, $0xC;
	s1 =	spop (v2sf);
	s31 =	simm.s32 $0x780;
	s29 =	sand.u32 $0x1FFFFFF0, s0  }
0x36: {  	[tilespmem:s31], [sflag:$0x1] =	stream.linear.gather [hbm4b:s28+s3], $0x80, $0x38;
	[tilespmem:$0x10600] =	vst v63  }
0x37: {  	(v2sf) =	vpush v0, $0xD;
	s0 =	sand.u32 $0x1FFFFFF0, s1;
	s1 =	spop (v2sf);
	s31 =	sadd.s32 s2, s29  }
0x38: {  	[tilespmem:s20], [sflag:$0x1] =	stream.linear.gather [hbm4b:s31+s3], $0x80, $0x38;
	[tilespmem:$0x10600] =	vst v63  }
0x39: {  	(v2sf) =	vpush v0, $0xE;
	s22 =	sadd.s32 s2, s0;
	s30 =	spop (v2sf);
	s29 =	sand.u32 $0x1FFFFFF0, s1  }
0x3a: {  	[tilespmem:s24], [sflag:$0x1] =	stream.linear.gather [hbm4b:s22+s3], $0x80, $0x38;
	[tilespmem:$0x10600] =	vst v63  }
0x3b: {  	s0 =	sand.u32 $0x1FFFFFF0, s30;
	s31 =	sadd.s32 s2, s29;
	s1 =	spop (v2sf);
	(v2sf) =	vpush v0, $0xF  }
0x3c: {  	[tilespmem:s25], [sflag:$0x1] =	stream.linear.gather [hbm4b:s31+s3], $0x80, $0x38;
	[tilespmem:$0x10600] =	vst v63  }
0x3d: {  	s28 =	sadd.s32 s2, s0;
	s29 =	sand.u32 $0x1FFFFFF0, s1;
	s30 =	spop (v2sf)  }
0x3e: {  	[tilespmem:s26], [sflag:$0x1] =	stream.linear.gather [hbm4b:s28+s3], $0x80, $0x38;
	[tilespmem:$0x10600] =	vst v63  }
0x3f: {  	s31 =	sadd.s32 s2, s29;
	s0 =	sand.u32 $0x1FFFFFF0, s30;
	s1 =	spop (v2sf)  }
0x40: {  	s26 =	simm.s32 $0xB80;
	s24 =	sand.u32 $0x1FFFFFF0, s1;
	s25 =	spop (v2sf)  }
0x41: {  	[tilespmem:s23], [sflag:$0x1] =	stream.linear.gather [hbm4b:s31+s3], $0x80, $0x38;
	[tilespmem:$0x10600] =	vst v63  }
0x42: {  	s23 =	sadd.s32 s2, s0;
	s28 =	sadd.s32 s2, s24;
	s29 =	sand.u32 $0x1FFFFFF0, s25  }
0x43: {  	[tilespmem:s21], [sflag:$0x1] =	stream.linear.gather [hbm4b:s23+s3], $0x80, $0x38;
	[tilespmem:$0x10600] =	vst v63  }
0x44: {  	s24 =	simm.s32 $0xC00;
	s30 =	spop (v2sf);
	s22 =	sadd.s32 s2, s29  }
0x45: {  	[tilespmem:s19], [sflag:$0x1] =	stream.linear.gather [hbm4b:s28+s3], $0x80, $0x38;
	[tilespmem:$0x10600] =	vst v63  }
0x46: {  	s21 =	simm.s32 $0xC80;
	s31 =	spop (v2sf);
	s19 =	sand.u32 $0x1FFFFFF0, s30  }
0x47: {  	[tilespmem:s26], [sflag:$0x1] =	stream.linear.gather [hbm4b:s22+s3], $0x80, $0x38;
	[tilespmem:$0x10600] =	vst v63  }
0x48: {  	s20 =	spop (v2sf);
	s22 =	sadd.s32 s2, s19;
	s19 =	sand.u32 $0x1FFFFFF0, s31  }
.LBB2_2:
0x49: {  	[tilespmem:s24], [sflag:$0x1] =	stream.linear.gather [hbm4b:s22+s3], $0x80, $0x38;
	[tilespmem:$0x10600] =	vst v63  }
0x4a: {  	s19 =	sadd.s32 s2, s19;
	s20 =	sand.u32 $0x1FFFFFF0, s20;
	s22 =	spop (v2sf)  }
0x4b: {  	[tilespmem:s21], [sflag:$0x1] =	stream.linear.gather [hbm4b:s19+s3], $0x80, $0x38;
	[tilespmem:$0x10600] =	vst v63  }
0x4c: {  	s20 =	sadd.s32 s2, s20;
	s19 =	sadd.s32 $0xD00, s18;
	s21 =	sand.u32 $0x1FFFFFF0, s22  }
0x4d: {  	[tilespmem:s19], [sflag:$0x1] =	stream.linear.gather [hbm4b:s20+s3], $0x80, $0x38;
	[tilespmem:$0x10600] =	vst v63  }
0x4e: {  	s18 =	sadd.s32 $0xD80, s18;
	s19 =	sand.u32 $0x1F0, s17;
	s20 =	sadd.s32 s2, s21  }
0x4f: {  	[tilespmem:s18], [sflag:$0x1] =	stream.linear.gather [hbm4b:s20+s3], $0x80, $0x38;
	[tilespmem:$0x10600] =	vst v63  }
0x50: {  	p0 =	sne.s32 s15, $0x3E000;
	s18 =	smov.u32 s15;
	s15 =	sadd.s32 $0x2000, s15;
	v0 =	vld [tilespmem:s19+$0x200]  }
0x51: {  	v1 =	vld [tilespmem:s16+$0x0]  }
0x52: {  	v2 =	vld [tilespmem:s19+$0x400];
	_ =	sdelay $0x3  }
0x53: {  	v0 =	vshll.u32 v0, $0x6;
	v1 =	vshll.u32 v1, $0xC  }
0x54: {  	v0 =	vadd.s32 v1, v0  }
0x55: {  	v0 =	vadd.s32 v2, v0  }
0x56: {  	v0 =	vshll.u32 v0, $0x4  }
0x57: {  	(v2sf) =	vpush v0, $0x0  }
0x58: {  	(v2sf) =	vpush v0, $0x1  }
0x59: {  	(v2sf) =	vpush v0, $0x2;
	_ =	sdelay $0x1  }
0x5a: {  	(v2sf) =	vpush v0, $0x3;
	_ =	sdelay $0x3  }
0x5b: {  	(v2sf) =	vpush v0, $0x4  }
0x5c: {  	(v2sf) =	vpush v0, $0x5;
	_ =	sdelay $0x1  }
0x5d: {  	s18 =	sshra.s32 s18, $0x2;
	s16 =	sadd.s32 $0x10, s16;
	(v2sf) =	vpush v0, $0x6  }
0x5e: {  	s28 =	sadd.s32 $0x800, s18;
	s20 =	sadd.s32 $0xA80, s18;
	s19 =	sadd.s32 $0xB00, s18  }
0x5f: {  	s21 =	sadd.s32 $0x600, s18;
	s24 =	sadd.s32 $0x680, s18;
	s29 =	sadd.s32 $0x880, s18;
	(v2sf) =	vpush v0, $0x7  }
0x60: {  	s17 =	sadd.s32 $0x10, s17;
	s26 =	sadd.s32 $0x900, s18;
	s25 =	sadd.s32 $0x980, s18  }
0x61: {  	s30 =	sadd.s32 $0x700, s18;
	s23 =	sadd.s32 $0xA00, s18;
	s22 =	spop (v2sf);
	(v2sf) =	vpush v0, $0x8  }
0x62: {  	s31 =	sand.u32 $0x1FFFFFF0, s22;
	s22 =	sadd.s32 $0xB80, s18;
	s0 =	spop (v2sf)  }
0x63: {  	s31 =	sadd.s32 s2, s31;
	s0 =	sand.u32 $0x1FFFFFF0, s0;
	s1 =	spop (v2sf);
	(v2sf) =	vpush v0, $0x9  }
0x64: {  	[tilespmem:s21], [sflag:$0x1] =	stream.linear.gather [hbm4b:s31+s3], $0x80, $0x38;
	[tilespmem:$0x10600] =	vst v63  }
0x65: {  	s0 =	sadd.s32 s2, s0;
	s1 =	sand.u32 $0x1FFFFFF0, s1;
	s21 =	spop (v2sf);
	(v2sf) =	vpush v0, $0xA  }
0x66: {  	[tilespmem:s24], [sflag:$0x1] =	stream.linear.gather [hbm4b:s0+s3], $0x80, $0x38;
	[tilespmem:$0x10600] =	vst v63  }
0x67: {  	s0 =	sadd.s32 s2, s1;
	s1 =	sadd.s32 $0x780, s18;
	s21 =	sand.u32 $0x1FFFFFF0, s21;
	(v2sf) =	vpush v0, $0xB  }
0x68: {  	[tilespmem:s30], [sflag:$0x1] =	stream.linear.gather [hbm4b:s0+s3], $0x80, $0x38;
	[tilespmem:$0x10600] =	vst v63  }
0x69: {  	s0 =	sadd.s32 s2, s21;
	s21 =	sadd.s32 $0xC80, s18;
	s24 =	spop (v2sf);
	(v2sf) =	vpush v0, $0xC  }
0x6a: {  	s30 =	sand.u32 $0x1FFFFFF0, s24;
	s24 =	sadd.s32 $0xC00, s18;
	s31 =	spop (v2sf)  }
0x6b: {  	[tilespmem:s1], [sflag:$0x1] =	stream.linear.gather [hbm4b:s0+s3], $0x80, $0x38;
	(v2sf) =	vpush v0, $0xD;
	[tilespmem:$0x10600] =	vst v63  }
0x6c: {  	s0 =	sadd.s32 s2, s30;
	s1 =	sand.u32 $0x1FFFFFF0, s31;
	s30 =	spop (v2sf)  }
0x6d: {  	[tilespmem:s28], [sflag:$0x1] =	stream.linear.gather [hbm4b:s0+s3], $0x80, $0x38;
	(v2sf) =	vpush v0, $0xE;
	[tilespmem:$0x10600] =	vst v63  }
0x6e: {  	s0 =	sadd.s32 s2, s1;
	s1 =	sand.u32 $0x1FFFFFF0, s30;
	s28 =	spop (v2sf)  }
0x6f: {  	[tilespmem:s29], [sflag:$0x1] =	stream.linear.gather [hbm4b:s0+s3], $0x80, $0x38;
	(v2sf) =	vpush v0, $0xF;
	[tilespmem:$0x10600] =	vst v63  }
0x70: {  	s0 =	sadd.s32 s2, s1;
	s1 =	sand.u32 $0x1FFFFFF0, s28;
	s28 =	spop (v2sf)  }
0x71: {  	[tilespmem:s26], [sflag:$0x1] =	stream.linear.gather [hbm4b:s0+s3], $0x80, $0x38;
	[tilespmem:$0x10600] =	vst v63  }
0x72: {  	s0 =	sadd.s32 s2, s1;
	s1 =	sand.u32 $0x1FFFFFF0, s28;
	s26 =	spop (v2sf)  }
0x73: {  	[tilespmem:s25], [sflag:$0x1] =	stream.linear.gather [hbm4b:s0+s3], $0x80, $0x38;
	[tilespmem:$0x10600] =	vst v63  }
0x74: {  	s0 =	sadd.s32 s2, s1;
	s1 =	sand.u32 $0x1FFFFFF0, s26;
	s25 =	spop (v2sf)  }
0x75: {  	[tilespmem:s23], [sflag:$0x1] =	stream.linear.gather [hbm4b:s0+s3], $0x80, $0x38;
	[tilespmem:$0x10600] =	vst v63  }
0x76: {  	s0 =	sadd.s32 s2, s1;
	s1 =	sand.u32 $0x1FFFFFF0, s25;
	s23 =	spop (v2sf)  }
0x77: {  	[tilespmem:s20], [sflag:$0x1] =	stream.linear.gather [hbm4b:s0+s3], $0x80, $0x38;
	[tilespmem:$0x10600] =	vst v63  }
0x78: {  	s0 =	sadd.s32 s2, s1  }
.Ltmp0:
0x79: {  	s1 =	sand.u32 $0x1FFFFFF0, s23;
	s20 =	spop (v2sf);
	(pc) =	sbr.rel @p0 .LBB2_2-.Ltmp0, $4  }
0x7a: {  	[tilespmem:s19], [sflag:$0x1] =	stream.linear.gather [hbm4b:s0+s3], $0x80, $0x38;
	[tilespmem:$0x10600] =	vst v63  }
0x7b: {  	s0 =	sadd.s32 s2, s1;
	s1 =	sand.u32 $0x1FFFFFF0, s20;
	s19 =	spop (v2sf)  }
0x7c: {  	[tilespmem:s22], [sflag:$0x1] =	stream.linear.gather [hbm4b:s0+s3], $0x80, $0x38;
	[tilespmem:$0x10600] =	vst v63  }
0x7d: {  	s22 =	sadd.s32 s2, s1;
	s19 =	sand.u32 $0x1FFFFFF0, s19;
	s20 =	spop (v2sf)  }
0x7e: {  	[tilespmem:s24], [sflag:$0x1] =	stream.linear.gather [hbm4b:s22+s3], $0x80, $0x38;
	[tilespmem:$0x10600] =	vst v63  }
0x7f: {  	s0 =	sadd.s32 s2, s19;
	s1 =	sand.u32 $0x1FFFFFF0, s20;
	s15 =	spop (v2sf)  }
0x80: {  	[tilespmem:s21], [sflag:$0x1] =	stream.linear.gather [hbm4b:s0+s3], $0x80, $0x38;
	[tilespmem:$0x10600] =	vst v63  }
0x81: {  	s29 =	sadd.s32 $0xD00, s18;
	s1 =	sadd.s32 s2, s1;
	s15 =	sand.u32 $0x1FFFFFF0, s15  }
0x82: {  	[tilespmem:s29], [sflag:$0x1] =	stream.linear.gather [hbm4b:s1+s3], $0x80, $0x38;
	[tilespmem:$0x10600] =	vst v63  }
0x83: {  	s30 =	sadd.s32 $0xD80, s18;
	s31 =	sadd.s32 s2, s15  }
0x84: {  	[tilespmem:s30], [sflag:$0x1] =	stream.linear.gather [hbm4b:s31+s3], $0x80, $0x38;
	[tilespmem:$0x10600] =	vst v63  }
0x85: {  	s14 =	sadd.s32 $0x1, s14;
	_ =	swait.ge [sflag:s11], $0x10000  }
0x86: {  	p0 =	sne.s32 s14, s8;
	[sflag:s11] =	ssyncset.done $0x0  }
.Ltmp1:
0x87: {  	[sflag:s11] =	ssyncadd.s32 $0xFFFF0000;
	(pc) =	sbr.rel @p0 .LBB2_1-.Ltmp1, $4  }
0x88: {  	[hbm4b:s7+s3] =	stream.linear.scatter [tilespmem:s12], [sflag:$0x2], $0x10000, $0x38;
	[tilespmem:$0x10600] =	vst v63  }
0x89: {  	_ =	swait.ge [sflag:s13], $0x10000  }
0x8a: {  	[sflag:s13] =	ssyncset.done $0x0  }
0x8b: {  	[sflag:s13] =	ssyncadd.s32 $0xFFFF0000  }
0x8c: {  	_ =	sfence.sel $0x180000  }
0x8d: {  	[bflag:$0x0] =	sbarrier.arrive $0xFFFF  }
0x8e: {  	_ =	strace $0x90000047  }
0x8f: {  	s0 =	stileid.u32;
	[bflag:$0x2] =	sbarrier.arrive $0xFFFF  }
0x90: {  	p0 =	sne.s32 s0, $0x0;
	s0 =	rddreg [dreg:$0x3]  }
0x91: {  	s0 =	sadd.s32 @!p0 $0x100000, s0  }
0x92: {  	[sflag:s0] =	ssyncadd.tile.s32 @!p0 $0x1;
	_ =	shalt  }
.Lfunc_end2:
_tile_overlayer_lowered:
.L_overlay_start_2:
0x93: {  	(tag) =	ssettag $0x2  }
0x94: {  	s0 =	rddreg [dreg:$0x0];
	s2 =	stileid.u32  }
0x95: {  	s1 =	rddreg [dreg:$0x1];
	p0 =	sne.s32 s2, $0x0  }
0x96: {  	s3 =	rddreg [dreg:$0x2];
	[bflag:$0x3] =	sbarrier.arrive $0xFFFF;
	s2 =	simm.s32 @!p0 $0x1C02  }
0x97: {  	[timem:s3], [sflag:s2] =	dma.local @!p0 [hbm:s0], s1  }
0x98: {  	s0 =	simm.s32 @!p0 $0x2  }
0x99: {  	_ =	swait.ge @!p0 [sflag:s0], s1  }
0x9a: {  	s1 =	ssub.s32 @!p0 $0x0, s1;
	[sflag:s0] =	ssyncset.done @!p0 $0x0  }
0x9b: {  	[sflag:s0] =	ssyncadd.s32 @!p0 s1  }
0x9c: {  	[bflag:$0x3] =	sbarrier.arrive $0xFFFF  }
0x9d: {  	_ =	shalt  }

</sc_bundles>
